<compile_context>
chip_gen: v7x
topology: tpu7x:2x2x1
jax: 0.10.2.dev20260603
libtpu: 0.0.44.dev20260713+nightly
codegen_flags: <defaults>
</compile_context>

<pallas_src>
import jax
import jax.numpy as jnp
from jax import lax
from jax.experimental import pallas as pl
from jax.experimental.pallas import tpu as pltpu

_N = 5000
_NPAD = 5120
_T = 128
_NT = _NPAD // _T
_TOPN = 2000
_TH = 0.7
_IM = 512.0
_WIN = 256
_UW = 512
_OUT_ROWS = 2304


def _iou_gt(x1c, y1c, x2c, y2c, ac, x1r, y1r, x2r, y2r, ar):
    xx1 = jnp.maximum(x1c, x1r)
    yy1 = jnp.maximum(y1c, y1r)
    xx2 = jnp.minimum(x2c, x2r)
    yy2 = jnp.minimum(y2c, y2r)
    w = jnp.clip(xx2 - xx1 + 1.0, 0.0)
    h = jnp.clip(yy2 - yy1 + 1.0, 0.0)
    inter = w * h
    iou = inter / (ac + ar - inter)
    return (iou > _TH).astype(jnp.float32)


def _load_tile(x1_ref, y1_ref, x2_ref, y2_ref, off):
    xt1 = jnp.clip(x1_ref[:, pl.ds(off, _T)], 0.0, _IM - 1.0)
    yt1 = jnp.clip(y1_ref[:, pl.ds(off, _T)], 0.0, _IM - 1.0)
    xt2 = jnp.clip(x2_ref[:, pl.ds(off, _T)], 0.0, _IM - 1.0)
    yt2 = jnp.clip(y2_ref[:, pl.ds(off, _T)], 0.0, _IM - 1.0)
    at = (xt2 - xt1 + 1.0) * (yt2 - yt1 + 1.0)
    return xt1, yt1, xt2, yt2, at


def _nms_kernel(x1_ref, y1_ref, x2_ref, y2_ref, s_ref, out_ref, alive_ref):
    pos_all = lax.broadcasted_iota(jnp.int32, (1, _NPAD), 1)
    alive_ref[...] = (pos_all < _N).astype(jnp.float32)
    out_ref[...] = jnp.zeros((_OUT_ROWS, 8), jnp.float32)

    ii = lax.broadcasted_iota(jnp.int32, (_T, _T), 0)
    jj = lax.broadcasted_iota(jnp.int32, (_T, _T), 1)
    strict_ut = (ii < jj).astype(jnp.float32)
    incl_ut = (ii <= jj).astype(jnp.float32)
    row_iota = lax.broadcasted_iota(jnp.int32, (_WIN, 1), 0).astype(
        jnp.float32)
    chunk_iota = lax.broadcasted_iota(jnp.int32, (1, _UW), 1)

    def colize(row):
        return jnp.broadcast_to(row, (_T, _T)).T

    def tile_body(t, base):
        off = t * _T
        xt1, yt1, xt2, yt2, at = _load_tile(x1_ref, y1_ref, x2_ref, y2_ref,
                                            off)
        st = s_ref[:, pl.ds(off, _T)]

        x1c = colize(xt1)[:, 0:1]
        y1c = colize(yt1)[:, 0:1]
        x2c = colize(xt2)[:, 0:1]
        y2c = colize(yt2)[:, 0:1]
        ac = colize(at)[:, 0:1]

        s_mat = _iou_gt(x1c, y1c, x2c, y2c, ac, xt1, yt1, xt2, yt2, at)
        s_mat = s_mat * strict_ut
        a_mask = alive_ref[:, pl.ds(off, _T)]

        def fp_cond(c):
            return c[1]

        def fp_body(c):
            k, _ = c
            sup = jax.lax.dot_general(
                k, s_mat, (((1,), (0,)), ((), ())),
                preferred_element_type=jnp.float32,
                precision=lax.Precision.HIGHEST)
            nk = jnp.where(sup > 0.0, 0.0, a_mask)
            return nk, jnp.any(nk != k)

        keep, _ = lax.while_loop(fp_cond, fp_body, (a_mask, jnp.bool_(True)))
        alive_ref[:, pl.ds(off, _T)] = keep

        def sup_body(c, _):
            offu = c * _UW
            xu1 = jnp.clip(x1_ref[:, pl.ds(offu, _UW)], 0.0, _IM - 1.0)
            yu1 = jnp.clip(y1_ref[:, pl.ds(offu, _UW)], 0.0, _IM - 1.0)
            xu2 = jnp.clip(x2_ref[:, pl.ds(offu, _UW)], 0.0, _IM - 1.0)
            yu2 = jnp.clip(y2_ref[:, pl.ds(offu, _UW)], 0.0, _IM - 1.0)
            au = (xu2 - xu1 + 1.0) * (yu2 - yu1 + 1.0)
            s_u = _iou_gt(x1c, y1c, x2c, y2c, ac, xu1, yu1, xu2, yu2, au)
            supu = jax.lax.dot_general(
                keep, s_u, (((1,), (0,)), ((), ())),
                preferred_element_type=jnp.float32,
                precision=lax.Precision.HIGHEST)
            later = (chunk_iota + offu) > (off + _T - 1)
            av = alive_ref[:, pl.ds(offu, _UW)]
            alive_ref[:, pl.ds(offu, _UW)] = jnp.where(
                later & (supu > 0.0), 0.0, av)
            return 0

        lax.fori_loop(((t + 1) * _T) // _UW, _NPAD // _UW, sup_body, 0)

        pos_incl = jax.lax.dot_general(
            keep, incl_ut, (((1,), (0,)), ((), ())),
            preferred_element_type=jnp.float32,
            precision=lax.Precision.HIGHEST)
        cnt = jnp.sum(keep).astype(jnp.int32)
        posf = base.astype(jnp.float32) + pos_incl - 1.0

        base_w = jnp.minimum(base, _TOPN)
        base_al = (base_w // 8) * 8
        rel = posf - base_al.astype(jnp.float32)
        oh = ((row_iota == rel) & (keep > 0.0)
              & (posf < float(_TOPN))).astype(jnp.float32)

        cols = []
        for valr in (st, xt1, yt1, xt2, yt2):
            cols.append(jnp.sum(oh * valr, axis=1, keepdims=True))
        upd = jnp.concatenate(cols + [jnp.zeros((_WIN, 3), jnp.float32)],
                              axis=1)
        cur = out_ref[pl.ds(base_al, _WIN), :]
        out_ref[pl.ds(base_al, _WIN), :] = cur + upd
        return base + cnt

    def tile_step(t, base):
        return lax.cond(base < _TOPN, lambda: tile_body(t, base),
                        lambda: base)

    lax.fori_loop(0, _NT, tile_step, jnp.int32(0))


def kernel(boxes, scores):
    order = jnp.argsort(-scores)
    b = boxes[order]
    s = scores[order]
    pad = _NPAD - _N
    b = jnp.pad(b, ((0, pad), (0, 0)))
    s = jnp.pad(s, ((0, pad),))
    x1 = b[:, 0][None, :]
    y1 = b[:, 1][None, :]
    x2 = b[:, 2][None, :]
    y2 = b[:, 3][None, :]
    s = s[None, :]
    out = pl.pallas_call(
        _nms_kernel,
        out_shape=jax.ShapeDtypeStruct((_OUT_ROWS, 8), jnp.float32),
        scratch_shapes=[pltpu.VMEM((1, _NPAD), jnp.float32)],
    )(x1, y1, x2, y2, s)
    return out[:_TOPN, :5]

# --- scband reference (transcript-rebuilt; emitter-appended) ---
"""Pipeline reference for scband-faster-rcnn-resnet101-644245094814 (READ-ONLY COPY).

The authoritative reference and input builder live on the scoring server;
editing this copy changes nothing except your own understanding.
"""

import jax, jax.numpy as jnp
import numpy as np
from functools import partial

N = 5000
POST_NMS_TOPN = 2000
IOU_THRESH = 0.7
IM_SIZE = 512.0


def setup_inputs(seed: int = 0) -> dict:
    key = jax.random.key(seed)
    k1, k2, k3 = jax.random.split(key, 3)
    xy1 = jax.random.uniform(k1, (N, 2), dtype=jnp.float32) * (IM_SIZE - 64.0)
    wh = jax.random.uniform(k2, (N, 2), dtype=jnp.float32) * 120.0 + 8.0
    boxes = jnp.concatenate([xy1, xy1 + wh], axis=1).astype(jnp.float32)
    scores = jax.random.uniform(k3, (N,), dtype=jnp.float32)
    return {"boxes": boxes, "scores": scores}


def _nms_proposals(boxes, scores):
    # Clip boxes to image boundary (proposal-layer convention)
    x1 = jnp.clip(boxes[:, 0], 0.0, IM_SIZE - 1.0)
    y1 = jnp.clip(boxes[:, 1], 0.0, IM_SIZE - 1.0)
    x2 = jnp.clip(boxes[:, 2], 0.0, IM_SIZE - 1.0)
    y2 = jnp.clip(boxes[:, 3], 0.0, IM_SIZE - 1.0)
    areas = (x2 - x1 + 1.0) * (y2 - y1 + 1.0)

    # Sort by descending score
    order = jnp.argsort(-scores)
    x1s, y1s, x2s, y2s = x1[order], y1[order], x2[order], y2[order]
    areas_s = areas[order]
    scores_s = scores[order]

    # Pairwise IoU matrix (py_cpu_nms +1 pixel convention)
    xx1 = jnp.maximum(x1s[:, None], x1s[None, :])
    yy1 = jnp.maximum(y1s[:, None], y1s[None, :])
    xx2 = jnp.minimum(x2s[:, None], x2s[None, :])
    yy2 = jnp.minimum(y2s[:, None], y2s[None, :])
    w = jnp.clip(xx2 - xx1 + 1.0, 0.0)
    h = jnp.clip(yy2 - yy1 + 1.0, 0.0)
    inter = w * h
    iou = inter / (areas_s[:, None] + areas_s[None, :] - inter)

    n = boxes.shape[0]
    idx = jnp.arange(n)

    def body(i, keep):
        sup = (iou[i] > IOU_THRESH) & (idx > i) & keep[i]
        return keep & (~sup)

    keep = jax.lax.fori_loop(0, n, body, jnp.ones((n,), dtype=bool))

    masked_scores = jnp.where(keep, scores_s, -1e9)
    top_scores, top_idx = jax.lax.top_k(masked_scores, POST_NMS_TOPN)
    valid = top_scores > -1e8
    sel_boxes = jnp.stack([x1s, y1s, x2s, y2s], axis=1)[top_idx]
    out_scores = jnp.where(valid, top_scores, 0.0)
    out_boxes = jnp.where(valid[:, None], sel_boxes, 0.0)
    # rois: [post_nms_topN, 5] = (score, x1, y1, x2, y2)
    return jnp.concatenate([out_scores[:, None], out_boxes], axis=1)


def reference(boxes, scores):
    return _nms_proposals(boxes, scores)

if __name__ == "__main__":
    import jax
    _d = setup_inputs()
    print(jax.jit(kernel)(*tuple(_d.values())))

</pallas_src>

<mosaic_0001>
module attributes {stable_mosaic.version = 14 : i64} {
  func.func @_nms_kernel(%arg0: memref<1x5120xf32, #tpu.memory_space<vmem>>, %arg1: memref<1x5120xf32, #tpu.memory_space<vmem>>, %arg2: memref<1x5120xf32, #tpu.memory_space<vmem>>, %arg3: memref<1x5120xf32, #tpu.memory_space<vmem>>, %arg4: memref<1x5120xf32, #tpu.memory_space<vmem>>, %arg5: memref<2304x8xf32, #tpu.memory_space<vmem>>, %arg6: memref<1x5120xf32, #tpu.memory_space<vmem>>) attributes {dimension_semantics = [], scalar_prefetch = 0 : i64, scratch_operands = 1 : i64, tpu.core_type = #tpu.core_type<tc>} {
    %iota3A = tpu.iota {dimensions = array<i32: 1>} : vector<1x5120xi32>
    %lt3A = arith.constant 5000 : i32
    %lt3A_0 = vector.broadcast %lt3A : i32 to vector<1x5120xi32>
    %lt3A_1 = arith.cmpi slt, %iota3A, %lt3A_0 : vector<1x5120xi32>
    %convert_element_type3A = arith.extui %lt3A_1 : vector<1x5120xi1> to vector<1x5120xi32>
    %convert_element_type3A_2 = arith.sitofp %convert_element_type3A : vector<1x5120xi32> to vector<1x5120xf32>
    %swap3A = arith.constant 0 : index
    %swap3A_3 = arith.constant 0 : index
    %swap3A_4 = vector.load %arg6[%swap3A, %swap3A_3] : memref<1x5120xf32, #tpu.memory_space<vmem>>, vector<1x5120xf32>
    tpu.vector_store %arg6[%swap3A, %swap3A_3], %convert_element_type3A_2 {strides = array<i32>} : memref<1x5120xf32, #tpu.memory_space<vmem>>, vector<1x5120xf32>,
    %broadcast_in_dim3A = arith.constant 0.000000e+00 : f32
    %broadcast_in_dim3A_5 = vector.broadcast %broadcast_in_dim3A : f32 to vector<2304x8xf32>
    %swap3A_6 = arith.constant 0 : index
    %swap3A_7 = arith.constant 0 : index
    %swap3A_8 = vector.load %arg5[%swap3A_6, %swap3A_7] : memref<2304x8xf32, #tpu.memory_space<vmem>>, vector<2304x8xf32>
    tpu.vector_store %arg5[%swap3A_6, %swap3A_7], %broadcast_in_dim3A_5 {strides = array<i32>} : memref<2304x8xf32, #tpu.memory_space<vmem>>, vector<2304x8xf32>,
    %iota3A_9 = tpu.iota {dimensions = array<i32: 0>} : vector<128x128xi32>
    %iota3A_10 = tpu.iota {dimensions = array<i32: 1>} : vector<128x128xi32>
    %lt3A_11 = arith.cmpi slt, %iota3A_9, %iota3A_10 : vector<128x128xi32>
    %convert_element_type3A_12 = arith.extui %lt3A_11 : vector<128x128xi1> to vector<128x128xi32>
    %convert_element_type3A_13 = arith.sitofp %convert_element_type3A_12 : vector<128x128xi32> to vector<128x128xf32>
    %le3A = arith.cmpi sle, %iota3A_9, %iota3A_10 : vector<128x128xi32>
    %convert_element_type3A_14 = arith.extui %le3A : vector<128x128xi1> to vector<128x128xi32>
    %convert_element_type3A_15 = arith.sitofp %convert_element_type3A_14 : vector<128x128xi32> to vector<128x128xf32>
    %iota3A_16 = tpu.iota {dimensions = array<i32: 0>} : vector<256x1xi32>
    %convert_element_type3A_17 = arith.sitofp %iota3A_16 : vector<256x1xi32> to vector<256x1xf32>
    %iota3A_18 = tpu.iota {dimensions = array<i32: 1>} : vector<1x512xi32>
    %scan3A = arith.constant 0 : i32
    %scan3A_19 = arith.constant 0 : i32
    %scan3A_20 = arith.constant 40 : i32
    %scan3A_21 = arith.addi %scan3A_19, %scan3A_20 : i32
    %scan3A_22 = arith.constant 1 : i32
    %scan3A_23 = scf.for %scan3A_25 = %scan3A_19 to %scan3A_21 step %scan3A_22 iter_args(%scan3A_26 = %scan3A) -> (i32)  : i32 {
      %lt3A_27 = arith.constant 2000 : i32
      %lt3A_28 = arith.cmpi slt, %scan3A_26, %lt3A_27 : i32
      %convert_element_type3A_29 = arith.extui %lt3A_28 : i1 to i32
      %cond3A = arith.constant 0 : i32
      %cond3A_30 = arith.cmpi ne, %convert_element_type3A_29, %cond3A : i32
      %cond3A_31 = scf.if %cond3A_30 -> (i32) {
        %mul3A = arith.constant 128 : i32
        %mul3A_32 = arith.muli %scan3A_25, %mul3A : i32
        %get3A = arith.constant 0 : index
        %get3A_33 = arith.index_cast %mul3A_32 : i32 to index
        %get3A_34 = vector.load %arg0[%get3A, %get3A_33] : memref<1x5120xf32, #tpu.memory_space<vmem>>, vector<1x128xf32>
        %jit3A = arith.constant 0.000000e+00 : f32
        %jit3A_35 = arith.constant 5.110000e+02 : f32
        %max3A = vector.broadcast %jit3A : f32 to vector<1x128xf32>
        %max3A_36 = arith.maximumf %max3A, %get3A_34 : vector<1x128xf32>
        %min3A = vector.broadcast %jit3A_35 : f32 to vector<1x128xf32>
        %min3A_37 = arith.minimumf %min3A, %max3A_36 : vector<1x128xf32>
        %get3A_38 = arith.constant 0 : index
        %get3A_39 = arith.index_cast %mul3A_32 : i32 to index
        %get3A_40 = vector.load %arg1[%get3A_38, %get3A_39] : memref<1x5120xf32, #tpu.memory_space<vmem>>, vector<1x128xf32>
        %jit3A_41 = arith.constant 0.000000e+00 : f32
        %jit3A_42 = arith.constant 5.110000e+02 : f32
        %max3A_43 = vector.broadcast %jit3A_41 : f32 to vector<1x128xf32>
        %max3A_44 = arith.maximumf %max3A_43, %get3A_40 : vector<1x128xf32>
        %min3A_45 = vector.broadcast %jit3A_42 : f32 to vector<1x128xf32>
        %min3A_46 = arith.minimumf %min3A_45, %max3A_44 : vector<1x128xf32>
        %get3A_47 = arith.constant 0 : index
        %get3A_48 = arith.index_cast %mul3A_32 : i32 to index
        %get3A_49 = vector.load %arg2[%get3A_47, %get3A_48] : memref<1x5120xf32, #tpu.memory_space<vmem>>, vector<1x128xf32>
        %jit3A_50 = arith.constant 0.000000e+00 : f32
        %jit3A_51 = arith.constant 5.110000e+02 : f32
        %max3A_52 = vector.broadcast %jit3A_50 : f32 to vector<1x128xf32>
        %max3A_53 = arith.maximumf %max3A_52, %get3A_49 : vector<1x128xf32>
        %min3A_54 = vector.broadcast %jit3A_51 : f32 to vector<1x128xf32>
        %min3A_55 = arith.minimumf %min3A_54, %max3A_53 : vector<1x128xf32>
        %get3A_56 = arith.constant 0 : index
        %get3A_57 = arith.index_cast %mul3A_32 : i32 to index
        %get3A_58 = vector.load %arg3[%get3A_56, %get3A_57] : memref<1x5120xf32, #tpu.memory_space<vmem>>, vector<1x128xf32>
        %jit3A_59 = arith.constant 0.000000e+00 : f32
        %jit3A_60 = arith.constant 5.110000e+02 : f32
        %max3A_61 = vector.broadcast %jit3A_59 : f32 to vector<1x128xf32>
        %max3A_62 = arith.maximumf %max3A_61, %get3A_58 : vector<1x128xf32>
        %min3A_63 = vector.broadcast %jit3A_60 : f32 to vector<1x128xf32>
        %min3A_64 = arith.minimumf %min3A_63, %max3A_62 : vector<1x128xf32>
        %sub3A = arith.subf %min3A_55, %min3A_37 : vector<1x128xf32>
        %add3A = arith.constant 1.000000e+00 : f32
        %add3A_65 = vector.broadcast %add3A : f32 to vector<1x128xf32>
        %add3A_66 = arith.addf %sub3A, %add3A_65 : vector<1x128xf32>
        %sub3A_67 = arith.subf %min3A_64, %min3A_46 : vector<1x128xf32>
        %add3A_68 = arith.constant 1.000000e+00 : f32
        %add3A_69 = vector.broadcast %add3A_68 : f32 to vector<1x128xf32>
        %add3A_70 = arith.addf %sub3A_67, %add3A_69 : vector<1x128xf32>
        %mul3A_71 = arith.mulf %add3A_66, %add3A_70 : vector<1x128xf32>
        %get3A_72 = arith.constant 0 : index
        %get3A_73 = arith.index_cast %mul3A_32 : i32 to index
        %get3A_74 = vector.load %arg4[%get3A_72, %get3A_73] : memref<1x5120xf32, #tpu.memory_space<vmem>>, vector<1x128xf32>
        %broadcast_in_dim3A_75 = vector.shape_cast %min3A_37 : vector<1x128xf32> to vector<1x128xf32>
        %broadcast_in_dim3A_76 = vector.broadcast %broadcast_in_dim3A_75 : vector<1x128xf32> to vector<128x128xf32>
        %transpose3A = tpu.transpose %broadcast_in_dim3A_76, [1, 0] : vector<128x128xf32> -> vector<128x128xf32>
        %slice3A = vector.extract_strided_slice %transpose3A {offsets = [0, 0], sizes = [128, 1], strides = [1, 1]} : vector<128x128xf32> to vector<128x1xf32>
        %broadcast_in_dim3A_77 = vector.shape_cast %min3A_46 : vector<1x128xf32> to vector<1x128xf32>
        %broadcast_in_dim3A_78 = vector.broadcast %broadcast_in_dim3A_77 : vector<1x128xf32> to vector<128x128xf32>
        %transpose3A_79 = tpu.transpose %broadcast_in_dim3A_78, [1, 0] : vector<128x128xf32> -> vector<128x128xf32>
        %slice3A_80 = vector.extract_strided_slice %transpose3A_79 {offsets = [0, 0], sizes = [128, 1], strides = [1, 1]} : vector<128x128xf32> to vector<128x1xf32>
        %broadcast_in_dim3A_81 = vector.shape_cast %min3A_55 : vector<1x128xf32> to vector<1x128xf32>
        %broadcast_in_dim3A_82 = vector.broadcast %broadcast_in_dim3A_81 : vector<1x128xf32> to vector<128x128xf32>
        %transpose3A_83 = tpu.transpose %broadcast_in_dim3A_82, [1, 0] : vector<128x128xf32> -> vector<128x128xf32>
        %slice3A_84 = vector.extract_strided_slice %transpose3A_83 {offsets = [0, 0], sizes = [128, 1], strides = [1, 1]} : vector<128x128xf32> to vector<128x1xf32>
        %broadcast_in_dim3A_85 = vector.shape_cast %min3A_64 : vector<1x128xf32> to vector<1x128xf32>
        %broadcast_in_dim3A_86 = vector.broadcast %broadcast_in_dim3A_85 : vector<1x128xf32> to vector<128x128xf32>
        %transpose3A_87 = tpu.transpose %broadcast_in_dim3A_86, [1, 0] : vector<128x128xf32> -> vector<128x128xf32>
        %slice3A_88 = vector.extract_strided_slice %transpose3A_87 {offsets = [0, 0], sizes = [128, 1], strides = [1, 1]} : vector<128x128xf32> to vector<128x1xf32>
        %broadcast_in_dim3A_89 = vector.shape_cast %mul3A_71 : vector<1x128xf32> to vector<1x128xf32>
        %broadcast_in_dim3A_90 = vector.broadcast %broadcast_in_dim3A_89 : vector<1x128xf32> to vector<128x128xf32>
        %transpose3A_91 = tpu.transpose %broadcast_in_dim3A_90, [1, 0] : vector<128x128xf32> -> vector<128x128xf32>
        %slice3A_92 = vector.extract_strided_slice %transpose3A_91 {offsets = [0, 0], sizes = [128, 1], strides = [1, 1]} : vector<128x128xf32> to vector<128x1xf32>
        %max3A_93 = vector.broadcast %slice3A : vector<128x1xf32> to vector<128x128xf32>
        %max3A_94 = vector.broadcast %min3A_37 : vector<1x128xf32> to vector<128x128xf32>
        %max3A_95 = arith.maximumf %max3A_93, %max3A_94 : vector<128x128xf32>
        %max3A_96 = vector.broadcast %slice3A_80 : vector<128x1xf32> to vector<128x128xf32>
        %max3A_97 = vector.broadcast %min3A_46 : vector<1x128xf32> to vector<128x128xf32>
        %max3A_98 = arith.maximumf %max3A_96, %max3A_97 : vector<128x128xf32>
        %min3A_99 = vector.broadcast %slice3A_84 : vector<128x1xf32> to vector<128x128xf32>
        %min3A_100 = vector.broadcast %min3A_55 : vector<1x128xf32> to vector<128x128xf32>
        %min3A_101 = arith.minimumf %min3A_99, %min3A_100 : vector<128x128xf32>
        %min3A_102 = vector.broadcast %slice3A_88 : vector<128x1xf32> to vector<128x128xf32>
        %min3A_103 = vector.broadcast %min3A_64 : vector<1x128xf32> to vector<128x128xf32>
        %min3A_104 = arith.minimumf %min3A_102, %min3A_103 : vector<128x128xf32>
        %sub3A_105 = arith.subf %min3A_101, %max3A_95 : vector<128x128xf32>
        %add3A_106 = arith.constant 1.000000e+00 : f32
        %add3A_107 = vector.broadcast %add3A_106 : f32 to vector<128x128xf32>
        %add3A_108 = arith.addf %sub3A_105, %add3A_107 : vector<128x128xf32>
        %jit3A_109 = arith.constant 0.000000e+00 : f32
        %max3A_110 = vector.broadcast %jit3A_109 : f32 to vector<128x128xf32>
        %max3A_111 = arith.maximumf %max3A_110, %add3A_108 : vector<128x128xf32>
        %sub3A_112 = arith.subf %min3A_104, %max3A_98 : vector<128x128xf32>
        %add3A_113 = arith.constant 1.000000e+00 : f32
        %add3A_114 = vector.broadcast %add3A_113 : f32 to vector<128x128xf32>
        %add3A_115 = arith.addf %sub3A_112, %add3A_114 : vector<128x128xf32>
        %jit3A_116 = arith.constant 0.000000e+00 : f32
        %max3A_117 = vector.broadcast %jit3A_116 : f32 to vector<128x128xf32>
        %max3A_118 = arith.maximumf %max3A_117, %add3A_115 : vector<128x128xf32>
        %mul3A_119 = arith.mulf %max3A_111, %max3A_118 : vector<128x128xf32>
        %add3A_120 = vector.broadcast %slice3A_92 : vector<128x1xf32> to vector<128x128xf32>
        %add3A_121 = vector.broadcast %mul3A_71 : vector<1x128xf32> to vector<128x128xf32>
        %add3A_122 = arith.addf %add3A_120, %add3A_121 : vector<128x128xf32>
        %sub3A_123 = arith.subf %add3A_122, %mul3A_119 : vector<128x128xf32>
        %div3A = arith.divf %mul3A_119, %sub3A_123 : vector<128x128xf32>
        %gt3A = arith.constant 0.699999988 : f32
        %gt3A_124 = vector.broadcast %gt3A : f32 to vector<128x128xf32>
        %gt3A_125 = arith.cmpf ogt, %div3A, %gt3A_124 : vector<128x128xf32>
        %convert_element_type3A_126 = arith.extui %gt3A_125 : vector<128x128xi1> to vector<128x128xi32>
        %convert_element_type3A_127 = arith.sitofp %convert_element_type3A_126 : vector<128x128xi32> to vector<128x128xf32>
        %mul3A_128 = arith.mulf %convert_element_type3A_127, %convert_element_type3A_13 : vector<128x128xf32>
        %get3A_129 = arith.constant 0 : index
        %get3A_130 = arith.index_cast %mul3A_32 : i32 to index
        %get3A_131 = vector.load %arg6[%get3A_129, %get3A_130] : memref<1x5120xf32, #tpu.memory_space<vmem>>, vector<1x128xf32>
        %while3A = arith.constant true
        %while3A_132:2 = scf.while (%while3A_263 = %get3A_131, %while3A_264 = %while3A) : (vector<1x128xf32>, i1) -> (vector<1x128xf32>, i1) {
          scf.condition(%while3A_264) %while3A_263, %while3A_264 : vector<1x128xf32>, i1
        } do {
        ^bb0(%while3A_263: vector<1x128xf32>, %while3A_264: i1):
          %dot_general3A_265 = arith.constant dense<0.000000e+00> : vector<1x128xf32>
          %dot_general3A_266 = tpu.matmul %while3A_263, %mul3A_128, %dot_general3A_265 {dimension_numbers = #tpu.dot_dimension_numbers<[1], [0], [0], [1], [0, 0, 1, 1], [], []>, precision = #tpu.contract_precision<fp32>, transpose_lhs_hint = false} : vector<1x128xf32>, vector<128x128xf32>, vector<1x128xf32> -> vector<1x128xf32>
          %gt3A_267 = arith.constant 0.000000e+00 : f32
          %gt3A_268 = vector.broadcast %gt3A_267 : f32 to vector<1x128xf32>
          %gt3A_269 = arith.cmpf ogt, %dot_general3A_266, %gt3A_268 : vector<1x128xf32>
          %jit3A_270 = arith.constant 0.000000e+00 : f32
          %broadcast_in_dim3A_271 = vector.broadcast %jit3A_270 : f32 to vector<1x128xf32>
          %select_n3A_272 = arith.select %gt3A_269, %broadcast_in_dim3A_271, %get3A_131 : vector<1x128xi1>, vector<1x128xf32>
          %ne3A_273 = arith.cmpf one, %select_n3A_272, %while3A_263 : vector<1x128xf32>
          %reduce_or3A = arith.constant 1.000000e+00 : f32
          %reduce_or3A_274 = arith.constant 0.000000e+00 : f32
          %reduce_or3A_275 = vector.broadcast %reduce_or3A : f32 to vector<1x128xf32>
          %reduce_or3A_276 = vector.broadcast %reduce_or3A_274 : f32 to vector<1x128xf32>
          %reduce_or3A_277 = arith.select %ne3A_273, %reduce_or3A_275, %reduce_or3A_276 : vector<1x128xi1>, vector<1x128xf32>
          %reduce_or3A_278 = vector.shape_cast %reduce_or3A_277 : vector<1x128xf32> to vector<1x1x128xf32>
          %reduce_or3A_279 = arith.constant dense<0xFF800000> : vector<1xf32>
          %reduce_or3A_280 = vector.multi_reduction <maximumf>, %reduce_or3A_278, %reduce_or3A_279 [1, 2] : vector<1x1x128xf32> to vector<1xf32>
          %reduce_or3A_281 = vector.shape_cast %reduce_or3A_280 : vector<1xf32> to vector<1x1x1xf32>
          %reduce_or3A_282 = vector.extract %reduce_or3A_281[0, 0, 0] : f32 from vector<1x1x1xf32>
          %reduce_or3A_283 = arith.constant 0.000000e+00 : f32
          %reduce_or3A_284 = arith.cmpf ogt, %reduce_or3A_282, %reduce_or3A_283 : f32
          scf.yield %select_n3A_272, %reduce_or3A_284 : vector<1x128xf32>, i1
        }
        %swap3A_133 = arith.constant 0 : index
        %swap3A_134 = arith.index_cast %mul3A_32 : i32 to index
        %swap3A_135 = vector.load %arg6[%swap3A_133, %swap3A_134] : memref<1x5120xf32, #tpu.memory_space<vmem>>, vector<1x128xf32>
        tpu.vector_store %arg6[%swap3A_133, %swap3A_134], %while3A_132#0 {strides = array<i32>} : memref<1x5120xf32, #tpu.memory_space<vmem>>, vector<1x128xf32>,
        %add3A_136 = arith.constant 1 : i32
        %add3A_137 = arith.addi %scan3A_25, %add3A_136 : i32
        %mul3A_138 = arith.constant 128 : i32
        %mul3A_139 = arith.muli %add3A_137, %mul3A_138 : i32
        %jit3A_140 = arith.constant 512 : i32
        %div3A_141 = arith.divsi %mul3A_139, %jit3A_140 : i32
        %sign3A = arith.constant 0 : i32
        %sign3A_142 = arith.cmpi sgt, %mul3A_139, %sign3A : i32
        %sign3A_143 = arith.extui %sign3A_142 : i1 to i32
        %sign3A_144 = arith.constant 0 : i32
        %sign3A_145 = arith.cmpi slt, %mul3A_139, %sign3A_144 : i32
        %sign3A_146 = arith.extui %sign3A_145 : i1 to i32
        %sign3A_147 = arith.subi %sign3A_143, %sign3A_146 : i32
        %sign3A_148 = arith.constant 0 : i32
        %sign3A_149 = arith.cmpi sgt, %jit3A_140, %sign3A_148 : i32
        %sign3A_150 = arith.extui %sign3A_149 : i1 to i32
        %sign3A_151 = arith.constant 0 : i32
        %sign3A_152 = arith.cmpi slt, %jit3A_140, %sign3A_151 : i32
        %sign3A_153 = arith.extui %sign3A_152 : i1 to i32
        %sign3A_154 = arith.subi %sign3A_150, %sign3A_153 : i32
        %ne3A = arith.cmpi ne, %sign3A_147, %sign3A_154 : i32
        %rem3A = arith.remsi %mul3A_139, %jit3A_140 : i32
        %ne3A_155 = arith.constant 0 : i32
        %ne3A_156 = arith.cmpi ne, %rem3A, %ne3A_155 : i32
        %and3A = arith.andi %ne3A, %ne3A_156 : i1
        %sub3A_157 = arith.constant 1 : i32
        %sub3A_158 = arith.subi %div3A_141, %sub3A_157 : i32
        %select_n3A = arith.select %and3A, %sub3A_158, %div3A_141 : i32
        %while3A_159 = arith.constant 10 : i32
        %while3A_160 = arith.constant 0 : i32
        %while3A_161 = arith.subi %while3A_159, %select_n3A : i32
        %while3A_162 = arith.addi %select_n3A, %while3A_161 : i32
        %while3A_163 = arith.constant 1 : i32
        %while3A_164 = arith.divsi %while3A_161, %while3A_163 : i32
        %while3A_165 = arith.muli %while3A_164, %while3A_163 : i32
        %while3A_166 = arith.addi %select_n3A, %while3A_165 : i32
        %while3A_167 = arith.constant 1 : i32
        %while3A_168 = scf.for %while3A_263 = %select_n3A to %while3A_166 step %while3A_167 iter_args(%while3A_264 = %while3A_160) -> (i32)  : i32 {
          %mul3A_265 = arith.constant 512 : i32
          %mul3A_266 = arith.muli %while3A_263, %mul3A_265 : i32
          %get3A_267 = arith.constant 0 : index
          %get3A_268 = arith.index_cast %mul3A_266 : i32 to index
          %get3A_269 = vector.load %arg0[%get3A_267, %get3A_268] : memref<1x5120xf32, #tpu.memory_space<vmem>>, vector<1x512xf32>
          %jit3A_270 = arith.constant 0.000000e+00 : f32
          %jit3A_271 = arith.constant 5.110000e+02 : f32
          %max3A_272 = vector.broadcast %jit3A_270 : f32 to vector<1x512xf32>
          %max3A_273 = arith.maximumf %max3A_272, %get3A_269 : vector<1x512xf32>
          %min3A_274 = vector.broadcast %jit3A_271 : f32 to vector<1x512xf32>
          %min3A_275 = arith.minimumf %min3A_274, %max3A_273 : vector<1x512xf32>
          %get3A_276 = arith.constant 0 : index
          %get3A_277 = arith.index_cast %mul3A_266 : i32 to index
          %get3A_278 = vector.load %arg1[%get3A_276, %get3A_277] : memref<1x5120xf32, #tpu.memory_space<vmem>>, vector<1x512xf32>
          %jit3A_279 = arith.constant 0.000000e+00 : f32
          %jit3A_280 = arith.constant 5.110000e+02 : f32
          %max3A_281 = vector.broadcast %jit3A_279 : f32 to vector<1x512xf32>
          %max3A_282 = arith.maximumf %max3A_281, %get3A_278 : vector<1x512xf32>
          %min3A_283 = vector.broadcast %jit3A_280 : f32 to vector<1x512xf32>
          %min3A_284 = arith.minimumf %min3A_283, %max3A_282 : vector<1x512xf32>
          %get3A_285 = arith.constant 0 : index
          %get3A_286 = arith.index_cast %mul3A_266 : i32 to index
          %get3A_287 = vector.load %arg2[%get3A_285, %get3A_286] : memref<1x5120xf32, #tpu.memory_space<vmem>>, vector<1x512xf32>
          %jit3A_288 = arith.constant 0.000000e+00 : f32
          %jit3A_289 = arith.constant 5.110000e+02 : f32
          %max3A_290 = vector.broadcast %jit3A_288 : f32 to vector<1x512xf32>
          %max3A_291 = arith.maximumf %max3A_290, %get3A_287 : vector<1x512xf32>
          %min3A_292 = vector.broadcast %jit3A_289 : f32 to vector<1x512xf32>
          %min3A_293 = arith.minimumf %min3A_292, %max3A_291 : vector<1x512xf32>
          %get3A_294 = arith.constant 0 : index
          %get3A_295 = arith.index_cast %mul3A_266 : i32 to index
          %get3A_296 = vector.load %arg3[%get3A_294, %get3A_295] : memref<1x5120xf32, #tpu.memory_space<vmem>>, vector<1x512xf32>
          %jit3A_297 = arith.constant 0.000000e+00 : f32
          %jit3A_298 = arith.constant 5.110000e+02 : f32
          %max3A_299 = vector.broadcast %jit3A_297 : f32 to vector<1x512xf32>
          %max3A_300 = arith.maximumf %max3A_299, %get3A_296 : vector<1x512xf32>
          %min3A_301 = vector.broadcast %jit3A_298 : f32 to vector<1x512xf32>
          %min3A_302 = arith.minimumf %min3A_301, %max3A_300 : vector<1x512xf32>
          %sub3A_303 = arith.subf %min3A_293, %min3A_275 : vector<1x512xf32>
          %add3A_304 = arith.constant 1.000000e+00 : f32
          %add3A_305 = vector.broadcast %add3A_304 : f32 to vector<1x512xf32>
          %add3A_306 = arith.addf %sub3A_303, %add3A_305 : vector<1x512xf32>
          %sub3A_307 = arith.subf %min3A_302, %min3A_284 : vector<1x512xf32>
          %add3A_308 = arith.constant 1.000000e+00 : f32
          %add3A_309 = vector.broadcast %add3A_308 : f32 to vector<1x512xf32>
          %add3A_310 = arith.addf %sub3A_307, %add3A_309 : vector<1x512xf32>
          %mul3A_311 = arith.mulf %add3A_306, %add3A_310 : vector<1x512xf32>
          %max3A_312 = vector.broadcast %slice3A : vector<128x1xf32> to vector<128x512xf32>
          %max3A_313 = vector.broadcast %min3A_275 : vector<1x512xf32> to vector<128x512xf32>
          %max3A_314 = arith.maximumf %max3A_312, %max3A_313 : vector<128x512xf32>
          %max3A_315 = vector.broadcast %slice3A_80 : vector<128x1xf32> to vector<128x512xf32>
          %max3A_316 = vector.broadcast %min3A_284 : vector<1x512xf32> to vector<128x512xf32>
          %max3A_317 = arith.maximumf %max3A_315, %max3A_316 : vector<128x512xf32>
          %min3A_318 = vector.broadcast %slice3A_84 : vector<128x1xf32> to vector<128x512xf32>
          %min3A_319 = vector.broadcast %min3A_293 : vector<1x512xf32> to vector<128x512xf32>
          %min3A_320 = arith.minimumf %min3A_318, %min3A_319 : vector<128x512xf32>
          %min3A_321 = vector.broadcast %slice3A_88 : vector<128x1xf32> to vector<128x512xf32>
          %min3A_322 = vector.broadcast %min3A_302 : vector<1x512xf32> to vector<128x512xf32>
          %min3A_323 = arith.minimumf %min3A_321, %min3A_322 : vector<128x512xf32>
          %sub3A_324 = arith.subf %min3A_320, %max3A_314 : vector<128x512xf32>
          %add3A_325 = arith.constant 1.000000e+00 : f32
          %add3A_326 = vector.broadcast %add3A_325 : f32 to vector<128x512xf32>
          %add3A_327 = arith.addf %sub3A_324, %add3A_326 : vector<128x512xf32>
          %jit3A_328 = arith.constant 0.000000e+00 : f32
          %max3A_329 = vector.broadcast %jit3A_328 : f32 to vector<128x512xf32>
          %max3A_330 = arith.maximumf %max3A_329, %add3A_327 : vector<128x512xf32>
          %sub3A_331 = arith.subf %min3A_323, %max3A_317 : vector<128x512xf32>
          %add3A_332 = arith.constant 1.000000e+00 : f32
          %add3A_333 = vector.broadcast %add3A_332 : f32 to vector<128x512xf32>
          %add3A_334 = arith.addf %sub3A_331, %add3A_333 : vector<128x512xf32>
          %jit3A_335 = arith.constant 0.000000e+00 : f32
          %max3A_336 = vector.broadcast %jit3A_335 : f32 to vector<128x512xf32>
          %max3A_337 = arith.maximumf %max3A_336, %add3A_334 : vector<128x512xf32>
          %mul3A_338 = arith.mulf %max3A_330, %max3A_337 : vector<128x512xf32>
          %add3A_339 = vector.broadcast %slice3A_92 : vector<128x1xf32> to vector<128x512xf32>
          %add3A_340 = vector.broadcast %mul3A_311 : vector<1x512xf32> to vector<128x512xf32>
          %add3A_341 = arith.addf %add3A_339, %add3A_340 : vector<128x512xf32>
          %sub3A_342 = arith.subf %add3A_341, %mul3A_338 : vector<128x512xf32>
          %div3A_343 = arith.divf %mul3A_338, %sub3A_342 : vector<128x512xf32>
          %gt3A_344 = arith.constant 0.699999988 : f32
          %gt3A_345 = vector.broadcast %gt3A_344 : f32 to vector<128x512xf32>
          %gt3A_346 = arith.cmpf ogt, %div3A_343, %gt3A_345 : vector<128x512xf32>
          %convert_element_type3A_347 = arith.extui %gt3A_346 : vector<128x512xi1> to vector<128x512xi32>
          %convert_element_type3A_348 = arith.sitofp %convert_element_type3A_347 : vector<128x512xi32> to vector<128x512xf32>
          %dot_general3A_349 = arith.constant dense<0.000000e+00> : vector<1x512xf32>
          %dot_general3A_350 = tpu.matmul %while3A_132#0, %convert_element_type3A_348, %dot_general3A_349 {dimension_numbers = #tpu.dot_dimension_numbers<[1], [0], [0], [1], [0, 0, 1, 1], [], []>, precision = #tpu.contract_precision<fp32>, transpose_lhs_hint = false} : vector<1x128xf32>, vector<128x512xf32>, vector<1x512xf32> -> vector<1x512xf32>
          %add3A_351 = vector.broadcast %mul3A_266 : i32 to vector<1x512xi32>
          %add3A_352 = arith.addi %iota3A_18, %add3A_351 : vector<1x512xi32>
          %add3A_353 = arith.constant 128 : i32
          %add3A_354 = arith.addi %mul3A_32, %add3A_353 : i32
          %sub3A_355 = arith.constant 1 : i32
          %sub3A_356 = arith.subi %add3A_354, %sub3A_355 : i32
          %gt3A_357 = vector.broadcast %sub3A_356 : i32 to vector<1x512xi32>
          %gt3A_358 = arith.cmpi sgt, %add3A_352, %gt3A_357 : vector<1x512xi32>
          %get3A_359 = arith.constant 0 : index
          %get3A_360 = arith.index_cast %mul3A_266 : i32 to index
          %get3A_361 = vector.load %arg6[%get3A_359, %get3A_360] : memref<1x5120xf32, #tpu.memory_space<vmem>>, vector<1x512xf32>
          %gt3A_362 = arith.constant 0.000000e+00 : f32
          %gt3A_363 = vector.broadcast %gt3A_362 : f32 to vector<1x512xf32>
          %gt3A_364 = arith.cmpf ogt, %dot_general3A_350, %gt3A_363 : vector<1x512xf32>
          %and3A_365 = arith.andi %gt3A_358, %gt3A_364 : vector<1x512xi1>
          %jit3A_366 = arith.constant 0.000000e+00 : f32
          %broadcast_in_dim3A_367 = vector.broadcast %jit3A_366 : f32 to vector<1x512xf32>
          %select_n3A_368 = arith.select %and3A_365, %broadcast_in_dim3A_367, %get3A_361 : vector<1x512xi1>, vector<1x512xf32>
          %swap3A_369 = arith.constant 0 : index
          %swap3A_370 = arith.index_cast %mul3A_266 : i32 to index
          %swap3A_371 = vector.load %arg6[%swap3A_369, %swap3A_370] : memref<1x5120xf32, #tpu.memory_space<vmem>>, vector<1x512xf32>
          tpu.vector_store %arg6[%swap3A_369, %swap3A_370], %select_n3A_368 {strides = array<i32>} : memref<1x5120xf32, #tpu.memory_space<vmem>>, vector<1x512xf32>,
          %while3A_372 = arith.constant 0 : i32
          scf.yield %while3A_372 : i32
        }
        %while3A_169 = arith.constant 1 : i32
        %while3A_170 = scf.for %while3A_263 = %while3A_166 to %while3A_162 step %while3A_169 iter_args(%while3A_264 = %while3A_168) -> (i32)  : i32 {
          %mul3A_265 = arith.constant 512 : i32
          %mul3A_266 = arith.muli %while3A_263, %mul3A_265 : i32
          %get3A_267 = arith.constant 0 : index
          %get3A_268 = arith.index_cast %mul3A_266 : i32 to index
          %get3A_269 = vector.load %arg0[%get3A_267, %get3A_268] : memref<1x5120xf32, #tpu.memory_space<vmem>>, vector<1x512xf32>
          %jit3A_270 = arith.constant 0.000000e+00 : f32
          %jit3A_271 = arith.constant 5.110000e+02 : f32
          %max3A_272 = vector.broadcast %jit3A_270 : f32 to vector<1x512xf32>
          %max3A_273 = arith.maximumf %max3A_272, %get3A_269 : vector<1x512xf32>
          %min3A_274 = vector.broadcast %jit3A_271 : f32 to vector<1x512xf32>
          %min3A_275 = arith.minimumf %min3A_274, %max3A_273 : vector<1x512xf32>
          %get3A_276 = arith.constant 0 : index
          %get3A_277 = arith.index_cast %mul3A_266 : i32 to index
          %get3A_278 = vector.load %arg1[%get3A_276, %get3A_277] : memref<1x5120xf32, #tpu.memory_space<vmem>>, vector<1x512xf32>
          %jit3A_279 = arith.constant 0.000000e+00 : f32
          %jit3A_280 = arith.constant 5.110000e+02 : f32
          %max3A_281 = vector.broadcast %jit3A_279 : f32 to vector<1x512xf32>
          %max3A_282 = arith.maximumf %max3A_281, %get3A_278 : vector<1x512xf32>
          %min3A_283 = vector.broadcast %jit3A_280 : f32 to vector<1x512xf32>
          %min3A_284 = arith.minimumf %min3A_283, %max3A_282 : vector<1x512xf32>
          %get3A_285 = arith.constant 0 : index
          %get3A_286 = arith.index_cast %mul3A_266 : i32 to index
          %get3A_287 = vector.load %arg2[%get3A_285, %get3A_286] : memref<1x5120xf32, #tpu.memory_space<vmem>>, vector<1x512xf32>
          %jit3A_288 = arith.constant 0.000000e+00 : f32
          %jit3A_289 = arith.constant 5.110000e+02 : f32
          %max3A_290 = vector.broadcast %jit3A_288 : f32 to vector<1x512xf32>
          %max3A_291 = arith.maximumf %max3A_290, %get3A_287 : vector<1x512xf32>
          %min3A_292 = vector.broadcast %jit3A_289 : f32 to vector<1x512xf32>
          %min3A_293 = arith.minimumf %min3A_292, %max3A_291 : vector<1x512xf32>
          %get3A_294 = arith.constant 0 : index
          %get3A_295 = arith.index_cast %mul3A_266 : i32 to index
          %get3A_296 = vector.load %arg3[%get3A_294, %get3A_295] : memref<1x5120xf32, #tpu.memory_space<vmem>>, vector<1x512xf32>
          %jit3A_297 = arith.constant 0.000000e+00 : f32
          %jit3A_298 = arith.constant 5.110000e+02 : f32
          %max3A_299 = vector.broadcast %jit3A_297 : f32 to vector<1x512xf32>
          %max3A_300 = arith.maximumf %max3A_299, %get3A_296 : vector<1x512xf32>
          %min3A_301 = vector.broadcast %jit3A_298 : f32 to vector<1x512xf32>
          %min3A_302 = arith.minimumf %min3A_301, %max3A_300 : vector<1x512xf32>
          %sub3A_303 = arith.subf %min3A_293, %min3A_275 : vector<1x512xf32>
          %add3A_304 = arith.constant 1.000000e+00 : f32
          %add3A_305 = vector.broadcast %add3A_304 : f32 to vector<1x512xf32>
          %add3A_306 = arith.addf %sub3A_303, %add3A_305 : vector<1x512xf32>
          %sub3A_307 = arith.subf %min3A_302, %min3A_284 : vector<1x512xf32>
          %add3A_308 = arith.constant 1.000000e+00 : f32
          %add3A_309 = vector.broadcast %add3A_308 : f32 to vector<1x512xf32>
          %add3A_310 = arith.addf %sub3A_307, %add3A_309 : vector<1x512xf32>
          %mul3A_311 = arith.mulf %add3A_306, %add3A_310 : vector<1x512xf32>
          %max3A_312 = vector.broadcast %slice3A : vector<128x1xf32> to vector<128x512xf32>
          %max3A_313 = vector.broadcast %min3A_275 : vector<1x512xf32> to vector<128x512xf32>
          %max3A_314 = arith.maximumf %max3A_312, %max3A_313 : vector<128x512xf32>
          %max3A_315 = vector.broadcast %slice3A_80 : vector<128x1xf32> to vector<128x512xf32>
          %max3A_316 = vector.broadcast %min3A_284 : vector<1x512xf32> to vector<128x512xf32>
          %max3A_317 = arith.maximumf %max3A_315, %max3A_316 : vector<128x512xf32>
          %min3A_318 = vector.broadcast %slice3A_84 : vector<128x1xf32> to vector<128x512xf32>
          %min3A_319 = vector.broadcast %min3A_293 : vector<1x512xf32> to vector<128x512xf32>
          %min3A_320 = arith.minimumf %min3A_318, %min3A_319 : vector<128x512xf32>
          %min3A_321 = vector.broadcast %slice3A_88 : vector<128x1xf32> to vector<128x512xf32>
          %min3A_322 = vector.broadcast %min3A_302 : vector<1x512xf32> to vector<128x512xf32>
          %min3A_323 = arith.minimumf %min3A_321, %min3A_322 : vector<128x512xf32>
          %sub3A_324 = arith.subf %min3A_320, %max3A_314 : vector<128x512xf32>
          %add3A_325 = arith.constant 1.000000e+00 : f32
          %add3A_326 = vector.broadcast %add3A_325 : f32 to vector<128x512xf32>
          %add3A_327 = arith.addf %sub3A_324, %add3A_326 : vector<128x512xf32>
          %jit3A_328 = arith.constant 0.000000e+00 : f32
          %max3A_329 = vector.broadcast %jit3A_328 : f32 to vector<128x512xf32>
          %max3A_330 = arith.maximumf %max3A_329, %add3A_327 : vector<128x512xf32>
          %sub3A_331 = arith.subf %min3A_323, %max3A_317 : vector<128x512xf32>
          %add3A_332 = arith.constant 1.000000e+00 : f32
          %add3A_333 = vector.broadcast %add3A_332 : f32 to vector<128x512xf32>
          %add3A_334 = arith.addf %sub3A_331, %add3A_333 : vector<128x512xf32>
          %jit3A_335 = arith.constant 0.000000e+00 : f32
          %max3A_336 = vector.broadcast %jit3A_335 : f32 to vector<128x512xf32>
          %max3A_337 = arith.maximumf %max3A_336, %add3A_334 : vector<128x512xf32>
          %mul3A_338 = arith.mulf %max3A_330, %max3A_337 : vector<128x512xf32>
          %add3A_339 = vector.broadcast %slice3A_92 : vector<128x1xf32> to vector<128x512xf32>
          %add3A_340 = vector.broadcast %mul3A_311 : vector<1x512xf32> to vector<128x512xf32>
          %add3A_341 = arith.addf %add3A_339, %add3A_340 : vector<128x512xf32>
          %sub3A_342 = arith.subf %add3A_341, %mul3A_338 : vector<128x512xf32>
          %div3A_343 = arith.divf %mul3A_338, %sub3A_342 : vector<128x512xf32>
          %gt3A_344 = arith.constant 0.699999988 : f32
          %gt3A_345 = vector.broadcast %gt3A_344 : f32 to vector<128x512xf32>
          %gt3A_346 = arith.cmpf ogt, %div3A_343, %gt3A_345 : vector<128x512xf32>
          %convert_element_type3A_347 = arith.extui %gt3A_346 : vector<128x512xi1> to vector<128x512xi32>
          %convert_element_type3A_348 = arith.sitofp %convert_element_type3A_347 : vector<128x512xi32> to vector<128x512xf32>
          %dot_general3A_349 = arith.constant dense<0.000000e+00> : vector<1x512xf32>
          %dot_general3A_350 = tpu.matmul %while3A_132#0, %convert_element_type3A_348, %dot_general3A_349 {dimension_numbers = #tpu.dot_dimension_numbers<[1], [0], [0], [1], [0, 0, 1, 1], [], []>, precision = #tpu.contract_precision<fp32>, transpose_lhs_hint = false} : vector<1x128xf32>, vector<128x512xf32>, vector<1x512xf32> -> vector<1x512xf32>
          %add3A_351 = vector.broadcast %mul3A_266 : i32 to vector<1x512xi32>
          %add3A_352 = arith.addi %iota3A_18, %add3A_351 : vector<1x512xi32>
          %add3A_353 = arith.constant 128 : i32
          %add3A_354 = arith.addi %mul3A_32, %add3A_353 : i32
          %sub3A_355 = arith.constant 1 : i32
          %sub3A_356 = arith.subi %add3A_354, %sub3A_355 : i32
          %gt3A_357 = vector.broadcast %sub3A_356 : i32 to vector<1x512xi32>
          %gt3A_358 = arith.cmpi sgt, %add3A_352, %gt3A_357 : vector<1x512xi32>
          %get3A_359 = arith.constant 0 : index
          %get3A_360 = arith.index_cast %mul3A_266 : i32 to index
          %get3A_361 = vector.load %arg6[%get3A_359, %get3A_360] : memref<1x5120xf32, #tpu.memory_space<vmem>>, vector<1x512xf32>
          %gt3A_362 = arith.constant 0.000000e+00 : f32
          %gt3A_363 = vector.broadcast %gt3A_362 : f32 to vector<1x512xf32>
          %gt3A_364 = arith.cmpf ogt, %dot_general3A_350, %gt3A_363 : vector<1x512xf32>
          %and3A_365 = arith.andi %gt3A_358, %gt3A_364 : vector<1x512xi1>
          %jit3A_366 = arith.constant 0.000000e+00 : f32
          %broadcast_in_dim3A_367 = vector.broadcast %jit3A_366 : f32 to vector<1x512xf32>
          %select_n3A_368 = arith.select %and3A_365, %broadcast_in_dim3A_367, %get3A_361 : vector<1x512xi1>, vector<1x512xf32>
          %swap3A_369 = arith.constant 0 : index
          %swap3A_370 = arith.index_cast %mul3A_266 : i32 to index
          %swap3A_371 = vector.load %arg6[%swap3A_369, %swap3A_370] : memref<1x5120xf32, #tpu.memory_space<vmem>>, vector<1x512xf32>
          tpu.vector_store %arg6[%swap3A_369, %swap3A_370], %select_n3A_368 {strides = array<i32>} : memref<1x5120xf32, #tpu.memory_space<vmem>>, vector<1x512xf32>,
          %while3A_372 = arith.constant 0 : i32
          scf.yield %while3A_372 : i32
        }
        %dot_general3A = arith.constant dense<0.000000e+00> : vector<1x128xf32>
        %dot_general3A_171 = tpu.matmul %while3A_132#0, %convert_element_type3A_15, %dot_general3A {dimension_numbers = #tpu.dot_dimension_numbers<[1], [0], [0], [1], [0, 0, 1, 1], [], []>, precision = #tpu.contract_precision<fp32>, transpose_lhs_hint = false} : vector<1x128xf32>, vector<128x128xf32>, vector<1x128xf32> -> vector<1x128xf32>
        %reduce_sum3A = vector.shape_cast %while3A_132#0 : vector<1x128xf32> to vector<1x1x128xf32>
        %reduce_sum3A_172 = arith.constant dense<0.000000e+00> : vector<1xf32>
        %reduce_sum3A_173 = vector.multi_reduction <add>, %reduce_sum3A, %reduce_sum3A_172 [1, 2] : vector<1x1x128xf32> to vector<1xf32>
        %reduce_sum3A_174 = vector.shape_cast %reduce_sum3A_173 : vector<1xf32> to vector<1x1x1xf32>
        %reduce_sum3A_175 = vector.extract %reduce_sum3A_174[0, 0, 0] : f32 from vector<1x1x1xf32>
        %convert_element_type3A_176 = arith.fptosi %reduce_sum3A_175 : f32 to i32
        %convert_element_type3A_177 = arith.sitofp %scan3A_26 : i32 to f32
        %add3A_178 = vector.broadcast %convert_element_type3A_177 : f32 to vector<1x128xf32>
        %add3A_179 = arith.addf %add3A_178, %dot_general3A_171 : vector<1x128xf32>
        %sub3A_180 = arith.constant 1.000000e+00 : f32
        %sub3A_181 = vector.broadcast %sub3A_180 : f32 to vector<1x128xf32>
        %sub3A_182 = arith.subf %add3A_179, %sub3A_181 : vector<1x128xf32>
        %min3A_183 = arith.constant 2000 : i32
        %min3A_184 = arith.minsi %scan3A_26, %min3A_183 : i32
        %jit3A_185 = arith.constant 8 : i32
        %div3A_186 = arith.divsi %min3A_184, %jit3A_185 : i32
        %sign3A_187 = arith.constant 0 : i32
        %sign3A_188 = arith.cmpi sgt, %min3A_184, %sign3A_187 : i32
        %sign3A_189 = arith.extui %sign3A_188 : i1 to i32
        %sign3A_190 = arith.constant 0 : i32
        %sign3A_191 = arith.cmpi slt, %min3A_184, %sign3A_190 : i32
        %sign3A_192 = arith.extui %sign3A_191 : i1 to i32
        %sign3A_193 = arith.subi %sign3A_189, %sign3A_192 : i32
        %sign3A_194 = arith.constant 0 : i32
        %sign3A_195 = arith.cmpi sgt, %jit3A_185, %sign3A_194 : i32
        %sign3A_196 = arith.extui %sign3A_195 : i1 to i32
        %sign3A_197 = arith.constant 0 : i32
        %sign3A_198 = arith.cmpi slt, %jit3A_185, %sign3A_197 : i32
        %sign3A_199 = arith.extui %sign3A_198 : i1 to i32
        %sign3A_200 = arith.subi %sign3A_196, %sign3A_199 : i32
        %ne3A_201 = arith.cmpi ne, %sign3A_193, %sign3A_200 : i32
        %rem3A_202 = arith.remsi %min3A_184, %jit3A_185 : i32
        %ne3A_203 = arith.constant 0 : i32
        %ne3A_204 = arith.cmpi ne, %rem3A_202, %ne3A_203 : i32
        %and3A_205 = arith.andi %ne3A_201, %ne3A_204 : i1
        %sub3A_206 = arith.constant 1 : i32
        %sub3A_207 = arith.subi %div3A_186, %sub3A_206 : i32
        %select_n3A_208 = arith.select %and3A_205, %sub3A_207, %div3A_186 : i32
        %mul3A_209 = arith.constant 8 : i32
        %mul3A_210 = arith.muli %select_n3A_208, %mul3A_209 : i32
        %convert_element_type3A_211 = arith.sitofp %mul3A_210 : i32 to f32
        %sub3A_212 = vector.broadcast %convert_element_type3A_211 : f32 to vector<1x128xf32>
        %sub3A_213 = arith.subf %sub3A_182, %sub3A_212 : vector<1x128xf32>
        %eq3A = vector.broadcast %convert_element_type3A_17 : vector<256x1xf32> to vector<256x128xf32>
        %eq3A_214 = vector.broadcast %sub3A_213 : vector<1x128xf32> to vector<256x128xf32>
        %eq3A_215 = arith.cmpf oeq, %eq3A, %eq3A_214 : vector<256x128xf32>
        %gt3A_216 = arith.constant 0.000000e+00 : f32
        %gt3A_217 = vector.broadcast %gt3A_216 : f32 to vector<1x128xf32>
        %gt3A_218 = arith.cmpf ogt, %while3A_132#0, %gt3A_217 : vector<1x128xf32>
        %and3A_219 = vector.broadcast %gt3A_218 : vector<1x128xi1> to vector<256x128xi1>
        %and3A_220 = arith.andi %eq3A_215, %and3A_219 : vector<256x128xi1>
        %lt3A_221 = arith.constant 2.000000e+03 : f32
        %lt3A_222 = vector.broadcast %lt3A_221 : f32 to vector<1x128xf32>
        %lt3A_223 = arith.cmpf olt, %sub3A_182, %lt3A_222 : vector<1x128xf32>
        %and3A_224 = vector.broadcast %lt3A_223 : vector<1x128xi1> to vector<256x128xi1>
        %and3A_225 = arith.andi %and3A_220, %and3A_224 : vector<256x128xi1>
        %convert_element_type3A_226 = arith.extui %and3A_225 : vector<256x128xi1> to vector<256x128xi32>
        %convert_element_type3A_227 = arith.sitofp %convert_element_type3A_226 : vector<256x128xi32> to vector<256x128xf32>
        %mul3A_228 = vector.broadcast %get3A_74 : vector<1x128xf32> to vector<256x128xf32>
        %mul3A_229 = arith.mulf %convert_element_type3A_227, %mul3A_228 : vector<256x128xf32>
        %reduce_sum3A_230 = arith.constant dense<0.000000e+00> : vector<256xf32>
        %reduce_sum3A_231 = vector.multi_reduction <add>, %mul3A_229, %reduce_sum3A_230 [1] : vector<256x128xf32> to vector<256xf32>
        %broadcast_in_dim3A_232 = vector.shape_cast %reduce_sum3A_231 : vector<256xf32> to vector<256x1xf32>
        %mul3A_233 = vector.broadcast %min3A_37 : vector<1x128xf32> to vector<256x128xf32>
        %mul3A_234 = arith.mulf %convert_element_type3A_227, %mul3A_233 : vector<256x128xf32>
        %reduce_sum3A_235 = arith.constant dense<0.000000e+00> : vector<256xf32>
        %reduce_sum3A_236 = vector.multi_reduction <add>, %mul3A_234, %reduce_sum3A_235 [1] : vector<256x128xf32> to vector<256xf32>
        %broadcast_in_dim3A_237 = vector.shape_cast %reduce_sum3A_236 : vector<256xf32> to vector<256x1xf32>
        %mul3A_238 = vector.broadcast %min3A_46 : vector<1x128xf32> to vector<256x128xf32>
        %mul3A_239 = arith.mulf %convert_element_type3A_227, %mul3A_238 : vector<256x128xf32>
        %reduce_sum3A_240 = arith.constant dense<0.000000e+00> : vector<256xf32>
        %reduce_sum3A_241 = vector.multi_reduction <add>, %mul3A_239, %reduce_sum3A_240 [1] : vector<256x128xf32> to vector<256xf32>
        %broadcast_in_dim3A_242 = vector.shape_cast %reduce_sum3A_241 : vector<256xf32> to vector<256x1xf32>
        %mul3A_243 = vector.broadcast %min3A_55 : vector<1x128xf32> to vector<256x128xf32>
        %mul3A_244 = arith.mulf %convert_element_type3A_227, %mul3A_243 : vector<256x128xf32>
        %reduce_sum3A_245 = arith.constant dense<0.000000e+00> : vector<256xf32>
        %reduce_sum3A_246 = vector.multi_reduction <add>, %mul3A_244, %reduce_sum3A_245 [1] : vector<256x128xf32> to vector<256xf32>
        %broadcast_in_dim3A_247 = vector.shape_cast %reduce_sum3A_246 : vector<256xf32> to vector<256x1xf32>
        %mul3A_248 = vector.broadcast %min3A_64 : vector<1x128xf32> to vector<256x128xf32>
        %mul3A_249 = arith.mulf %convert_element_type3A_227, %mul3A_248 : vector<256x128xf32>
        %reduce_sum3A_250 = arith.constant dense<0.000000e+00> : vector<256xf32>
        %reduce_sum3A_251 = vector.multi_reduction <add>, %mul3A_249, %reduce_sum3A_250 [1] : vector<256x128xf32> to vector<256xf32>
        %broadcast_in_dim3A_252 = vector.shape_cast %reduce_sum3A_251 : vector<256xf32> to vector<256x1xf32>
        %broadcast_in_dim3A_253 = arith.constant 0.000000e+00 : f32
        %broadcast_in_dim3A_254 = vector.broadcast %broadcast_in_dim3A_253 : f32 to vector<256x3xf32>
        %concatenate3A = tpu.concatenate %broadcast_in_dim3A_232, %broadcast_in_dim3A_237, %broadcast_in_dim3A_242, %broadcast_in_dim3A_247, %broadcast_in_dim3A_252, %broadcast_in_dim3A_254 in 1 : vector<256x1xf32>, vector<256x1xf32>, vector<256x1xf32>, vector<256x1xf32>, vector<256x1xf32>, vector<256x3xf32> -> vector<256x8xf32>
        %get3A_255 = arith.index_cast %mul3A_210 : i32 to index
        %get3A_256 = arith.constant 0 : index
        %get3A_257 = vector.load %arg5[%get3A_255, %get3A_256] : memref<2304x8xf32, #tpu.memory_space<vmem>>, vector<256x8xf32>
        %add3A_258 = arith.addf %get3A_257, %concatenate3A : vector<256x8xf32>
        %swap3A_259 = arith.index_cast %mul3A_210 : i32 to index
        %swap3A_260 = arith.constant 0 : index
        %swap3A_261 = vector.load %arg5[%swap3A_259, %swap3A_260] : memref<2304x8xf32, #tpu.memory_space<vmem>>, vector<256x8xf32>
        tpu.vector_store %arg5[%swap3A_259, %swap3A_260], %add3A_258 {strides = array<i32>} : memref<2304x8xf32, #tpu.memory_space<vmem>>, vector<256x8xf32>,
        %add3A_262 = arith.addi %scan3A_26, %convert_element_type3A_176 : i32
        scf.yield %add3A_262 : i32
      } else {
        scf.yield %scan3A_26 : i32
      }
      scf.yield %cond3A_31 : i32
    }
    %scan3A_24 = arith.constant 40 : i32
    return
  }
}

</mosaic_0001>

<sc_bundles>
// kernel: gather_offload_async_start.1
scs
__scs_entry_jumppad:
0x0: {  	(pc) =	sbr.rel $0x88, $3  }
0x1: {  	(tag) =	ssettag $0x0;
	lr =	simm.s32 $0x1  }
0x2: {  	[smem:$0x3F9F] =	sst lr;
	_ =	strace $0xD0000000  }
0x3: {  	_ = 	snop  }
0x4: {  	_ = 	snop  }
0x5: {  	_ = 	snop  }
0x6: {  	_ = 	snop  }
0x7: {  	_ = 	snop  }
__scs_overlays_trampoline_lowered:
0x8: {  	[smem:$0x3FAE] =	sst s0  }
0x9: {  	[smem:$0x3FAF] =	sst s1  }
0xa: {  	[smem:$0x3FB0] =	sst s2  }
0xb: {  	[smem:$0x3FB1] =	sst s3  }
0xc: {  	[smem:$0x3FB2] =	sst s4  }
0xd: {  	[smem:$0x3FB3] =	sst s5  }
0xe: {  	[smem:$0x3FB4] =	sst s6  }
0xf: {  	[smem:$0x3FB5] =	sst s7  }
0x10: {  	[smem:$0x3FB6] =	sst s8  }
0x11: {  	[smem:$0x3FB7] =	sst s9;
	s0 =	simm.s32 @!p0 $0x0  }
0x12: {  	s1 =	sld [smem:$0x3F9D];
	s0 =	simm.s32 @p0 $0x1  }
0x13: {  	[smem:$0x3FB8] =	sst s0;
	s0 =	simm.s32 @!p1 $0x0  }
0x14: {  	s2 =	sld [smem:$0x3F9C];
	s0 =	simm.s32 @p1 $0x1  }
0x15: {  	[smem:$0x3FB9] =	sst s0;
	s0 =	simm.s32 @!p2 $0x0  }
0x16: {  	s3 =	sld [smem:$0x3FDB];
	s0 =	simm.s32 @p2 $0x1  }
0x17: {  	s4 =	simm.s32 $0x1BF5;
	[smem:$0x3FBB] =	sst s0  }
0x18: {  	s0 =	sld [smem:$0x3F9E];
	_ =	swait.ge [sflag:s4], $0x0  }
0x19: {  	s7 =	sld [smem:$0x3F9F]  }
0x1a: {  	s8 =	sadd.s32 $0xFFFFE003, lr  }
0x1b: {  	s9 =	sadd.s32 $0xFFFFFEF7, lr;
	s5 =	simm.s32 $0xFFFFFFFF;
	p2 =	slt.u32 s8, $0xFFFFF086  }
0x1c: {  	p1 =	slt.u32 s9, $0xF7A;
	s5 =	simm.s32 @!p2 $0x0  }
0x1d: {  	s5 =	simm.s32 @p1 $0x1;
	p0 =	seq.s32 s7, s2  }
0x1e: {  	s7 =	smul.u32 @!p0 $0xF7A, s2;
	p2 =	seq.s32 @!p0 s5, $0x0  }
0x1f: {  	s9 =	smul.u32 $0xF7A, s1;
	s8 =	simm.s32 @!p0 $0x1BF5;
	p2 =	por !p2, p0  }
0x20: {  	[sflag:s8] =	ssyncset.s32 @!p0 $0xFFFFF086;
	s6 =	sadd.s32 @!p0 s3, s7;
	s7 =	simm.s32 @!p0 $0x108  }
0x21: {  	s3 =	sadd.s32 s3, s9;
	s6 =	sadd.s32 @!p0 $0x88, s6;
	s7 =	simm.s32 @p2 $0x1082  }
0x22: {  	[simem:s7], [sflag:s8] =	dma.local @!p0 [hbm:s6], $0xF7A  }
0x23: {  	s9 =	sor.u32 $0xD0000000, s2;
	s6 =	simm.s32 $0x108;
	_ =	swait.ge @!p0 [sflag:s8], $0x0  }
0x24: {  	s3 =	sadd.s32 $0x88, s3;
	s6 =	simm.s32 @!p1 $0x1082;
	[sflag:s4] =	ssyncset.s32 $0xFFFFF086  }
0x25: {  	[simem:s6], [sflag:s4] =	dma.local [hbm:s3], $0xF7A  }
0x26: {  	[smem:$0x3F9F] =	sst s1;
	(tag) =	ssettag s2;
	_ =	strace s9  }
0x27: {  	s1 =	sld [smem:$0x3FAF]  }
0x28: {  	s2 =	sld [smem:$0x3FB0]  }
0x29: {  	s4 =	sld [smem:$0x3FB2]  }
0x2a: {  	p0 =	seq.s32 s5, $0x0;
	s5 =	sld [smem:$0x3FB3]  }
0x2b: {  	s6 =	sld [smem:$0x3FB4]  }
0x2c: {  	s7 =	sld [smem:$0x3FB5]  }
0x2d: {  	s3 =	simm.s32 $0x108;
	s8 =	sld [smem:$0x3FB6]  }
0x2e: {  	s3 =	simm.s32 @!p0 $0x1082;
	s9 =	sld [smem:$0x3FB7]  }
0x2f: {  	lr =	sadd.s32 s0, s3;
	s0 =	sld [smem:$0x3FAE]  }
0x30: {  	s3 =	sld [smem:$0x3FB1]  }
0x31: {  	[smem:$0x3FBA] =	sst s10  }
0x32: {  	s10 =	sld [smem:$0x3FB8];
	_ =	sdelay $0x3  }
0x33: {  	p0 =	seq.s32 s10, $0x1;
	s10 =	sld [smem:$0x3FBA];
	_ =	sdelay $0x3  }
0x34: {  	[smem:$0x3FBA] =	sst s10  }
0x35: {  	s10 =	sld [smem:$0x3FB9];
	_ =	sdelay $0x3  }
0x36: {  	p1 =	seq.s32 s10, $0x1;
	s10 =	sld [smem:$0x3FBA];
	_ =	sdelay $0x3  }
0x37: {  	[smem:$0x3FBA] =	sst s10  }
0x38: {  	s10 =	sld [smem:$0x3FBB]  }
0x39: {  	_ = 	snop;
	(pc) =	sbr.ind lr, $3  }
0x3a: {  	_ = 	snop  }
0x3b: {  	_ = 	snop  }
0x3c: {  	p2 =	seq.s32 s10, $0x1;
	s10 =	sld [smem:$0x3FBA]  }
0x3d: {  	_ =	shalt  }
0x3e: {  	_ =	shalt  }
0x3f: {  	_ =	shalt  }
0x40: {  	_ =	shalt  }
0x41: {  	_ =	shalt  }
0x42: {  	_ =	shalt  }
0x43: {  	_ =	shalt  }
0x44: {  	_ =	shalt  }
0x45: {  	_ =	shalt  }
0x46: {  	_ =	shalt  }
0x47: {  	_ =	shalt  }
0x48: {  	_ =	shalt  }
0x49: {  	_ =	shalt  }
0x4a: {  	_ =	shalt  }
0x4b: {  	_ =	shalt  }
0x4c: {  	_ =	shalt  }
0x4d: {  	_ =	shalt  }
0x4e: {  	_ =	shalt  }
0x4f: {  	_ =	shalt  }
0x50: {  	_ =	shalt  }
0x51: {  	_ =	shalt  }
0x52: {  	_ =	shalt  }
0x53: {  	_ =	shalt  }
0x54: {  	_ =	shalt  }
0x55: {  	_ =	shalt  }
0x56: {  	_ =	shalt  }
0x57: {  	_ =	shalt  }
0x58: {  	_ =	shalt  }
0x59: {  	_ =	shalt  }
0x5a: {  	_ =	shalt  }
0x5b: {  	_ =	shalt  }
0x5c: {  	_ =	shalt  }
0x5d: {  	_ =	shalt  }
0x5e: {  	_ =	shalt  }
0x5f: {  	_ =	shalt  }
0x60: {  	_ =	shalt  }
0x61: {  	_ =	shalt  }
0x62: {  	_ =	shalt  }
0x63: {  	_ =	shalt  }
0x64: {  	_ =	shalt  }
0x65: {  	_ =	shalt  }
0x66: {  	_ =	shalt  }
0x67: {  	_ =	shalt  }
0x68: {  	_ =	shalt  }
0x69: {  	_ =	shalt  }
0x6a: {  	_ =	shalt  }
0x6b: {  	_ =	shalt  }
0x6c: {  	_ =	shalt  }
0x6d: {  	_ =	shalt  }
0x6e: {  	_ =	shalt  }
0x6f: {  	_ =	shalt  }
0x70: {  	_ =	shalt  }
0x71: {  	_ =	shalt  }
0x72: {  	_ =	shalt  }
0x73: {  	_ =	shalt  }
0x74: {  	_ =	shalt  }
0x75: {  	_ =	shalt  }
0x76: {  	_ =	shalt  }
0x77: {  	_ =	shalt  }
0x78: {  	_ =	shalt  }
0x79: {  	_ =	shalt  }
0x7a: {  	_ =	shalt  }
0x7b: {  	_ =	shalt  }
0x7c: {  	_ =	shalt  }
0x7d: {  	_ =	shalt  }
0x7e: {  	_ =	shalt  }
0x7f: {  	_ =	shalt  }
0x80: {  	_ =	shalt  }
0x81: {  	_ =	shalt  }
0x82: {  	_ =	shalt  }
0x83: {  	_ =	shalt  }
0x84: {  	_ =	shalt  }
0x85: {  	_ =	shalt  }
0x86: {  	_ =	shalt  }
0x87: {  	_ =	shalt  }
.Lfunc_end0:
.L_simem_size_0:
called_computation.1_lowered:
.L_overlay_start_0:
0x88: {  	s0 =	sld [smem:$0x3FD9]  }
0x89: {  	s1 =	sld [smem:$0x3FFE];
	_ =	sdelay $0x3  }
0x8a: {  	s0 =	sadd.s32 s1, s0  }
0x8b: {  	[smem:$0x3FC6] =	sst s0  }
0x8c: {  	_ = 	snop  }
0x8d: {  	s0 =	sld [smem:$0x3FC8]  }
0x8e: {  	s16 =	sld [smem:$0x3FD0];
	(tm) =	ssettm $0x1  }
0x8f: {  	s2 =	sld [smem:$0x3FFB];
	_ =	sdelay $0x3  }
0x90: {  	_ =	strace s2  }
0x91: {  	s2 =	sld [smem:$0x3FFC];
	_ =	sdelay $0x3  }
0x92: {  	_ =	strace s2  }
0x93: {  	s2 =	sld [smem:$0x3FFD];
	_ =	sdelay $0x3  }
0x94: {  	_ =	strace s2  }
0x95: {  	_ =	strace $0x8FFFFFFF  }
0x96: {  	s17 =	sld [smem:$0x3FDB];
	_ =	sdelay $0x1  }
0x97: {  	s3 =	simm.s32 $_scs_section_size  }
0x98: {  	s4 =	simm.s32 $_size__tile_overlayer_lowered;
	s5 =	simm.s32 $_tile_overlayer_lowered  }
0x99: {  	s20 =	simm.s32 $0x1BFF;
	s19 =	sshll.u32 s5, $0x1;
	s2 =	sadd.s32 s3, s17  }
0x9a: {  	s6 =	simm.s32 $0x0;
	s18 =	sshll.u32 s4, $0x1;
	s4 =	sadd.s32 s19, s2  }
0x9b: {  	[timem:s6], [sflag:s20] =	dma.local [hbm:s4], s18  }
0x9c: {  	_ =	swait.ge [sflag:s20], s18  }
0x9d: {  	s3 =	ssub.s32 $0x0, s18;
	[sflag:s20] =	ssyncset.done $0x0  }
0x9e: {  	[sflag:s20] =	ssyncadd.s32 s3;
	_ =	sdelay $0x1  }
0x9f: {  	s21 =	simm.s32 $0x1B8B  }
0xa0: {  	_ =	swait.ge [sflag:s21], $0x1  }
0xa1: {  	[sflag:s21] =	ssyncset.done $0x0  }
0xa2: {  	s23 =	simm.s32 $0x1B8E;
	s22 =	sld [smem:$0x3FFE];
	[sflag:s21] =	ssyncadd.s32 $0xFFFFFFFF  }
0xa3: {  	s24 =	simm.s32 $execute0_lowered;
	[smem:$0x3FD2] =	sst s23  }
0xa4: {  	s4 =	sshll.u32 s24, $0x1;
	_ =	strace $0x80000046;
	[dreg:$0x1] =	wrdreg $0xFFFFFFFF  }
0xa5: {  	s25 =	simm.s32 $_size_execute0_lowered;
	s2 =	sadd.s32 s2, s4;
	[dreg:$0x0] =	wrdreg $0x0  }
0xa6: {  	s4 =	sshll.u32 s25, $0x1;
	[dreg:$0x2] =	wrdreg s2  }
0xa7: {  	[dreg:$0x3] =	wrdreg s4  }
0xa8: {  	[dreg:$0x4] =	wrdreg $0xC0  }
0xa9: {  	_ =	task [dreg:s6], $0x5FFFF  }
0xaa: {  	[dreg:$0x1] =	wrdreg $0xFFFFFFFF  }
0xab: {  	[dreg:$0x0] =	wrdreg $0x60  }
0xac: {  	[dreg:$0x2] =	wrdreg s0  }
0xad: {  	[dreg:$0x3] =	wrdreg s16  }
0xae: {  	[dreg:$0x4] =	wrdreg s22  }
0xaf: {  	[dreg:$0x5] =	wrdreg $0xA  }
0xb0: {  	_ =	task.clear_ibuf [dreg:s6], $0x6FFFF;
	_ =	strace $0x90000046  }
0xb1: {  	s26 =	simm.s32 $0xA;
	_ =	strace $0x80000048  }
0xb2: {  	_ =	swait.ge [sflag:s26], $0x1  }
0xb3: {  	[sflag:s26] =	ssyncadd.s32 $0xFFFFFFFF  }
0xb4: {  	_ =	strace $0x90000048  }
0xb5: {  	_ =	sfence  }
0xb6: {  	s28 =	sld [smem:$0x0];
	_ =	sdelay $0x1  }
0xb7: {  	s29 =	srdreg.scid  }
0xb8: {  	s30 =	sshll.u32 s29, $0xD;
	s31 =	sshrl.u32 s29, $0x2  }
0xb9: {  	s1 =	sand.u32 $0x1, s29;
	s2 =	sand.u32 $0x4000, s30;
	s0 =	sadd.s32 s31, s28  }
0xba: {  	s1 =	sor.u32 s2, s1;
	s0 =	sshll.u32 s0, $0x11  }
0xbb: {  	s0 =	sor.u32 s0, s1  }
0xbc: {  	s0 =	sadd.s32 $0x8F2B, s0  }
0xbd: {  	[sflag:s0] =	ssyncadd.remote.s32 $0x1  }
0xbe: {  	_ =	sfence.sel $0xFFFF  }
0xbf: {  	[dreg:$0x0] =	wrdreg $0xFFFFFFFF;
	(pc) =	sbr.abs _section_cstart, $3  }
0xc0: {  	[dreg:$0x1] =	wrdreg $0xFFFFFFFF  }
0xc1: {  	_ =	task.clear_ibuf [dreg:s6], $0x2FFFF;
	_ =	strace $0x9FFFFFFF  }
0xc2: {  	(tm) =	ssettm $0x7FFFFFFF  }
0xc3: {  	_ =	shalt  }
tec
execute0_lowered:
.L_overlay_start_1:
0x0: {  	(tag) =	ssettag $0x1  }
0x1: {  	s2 =	rddreg [dreg:$0x0]  }
0x2: {  	s3 =	rddreg [dreg:$0x1]  }
0x3: {  	s4 =	rddreg [dreg:$0x2];
	s1 =	stileid.u32  }
0x4: {  	s0 =	rddreg [dreg:$0x3];
	_ =	strace $0x80000047;
	s6 =	simm.s32 $0x1  }
0x5: {  	s8 =	simm.s32 $0x2;
	s30 =	simm.s32 $0x3;
	s5 =	sshll.u32 s1, $0x4  }
0x6: {  	s12 =	simm.s32 $0x0;
	s9 =	simm.s32 $0x0;
	s7 =	ssub.s32 $0x1380, s5  }
0x7: {  	s10 =	simm.s32 $0x0;
	[sflag:s6] =	ssyncpa.u1 $0x0;
	s6 =	sshrl.u32 s7, $0x8  }
0x8: {  	[sflag:s8] =	ssyncpa.u1 $0x0;
	s11 =	smov.u32 s5;
	s31 =	sshll.u32 s6, $0x4  }
0x9: {  	[sflag:s30] =	ssyncpa.u1 $0x0;
	s7 =	sadd.s32 $0x2, s6;
	s8 =	sadd.s32 $0x30, s31  }
.LBB2_1:
0xa: {  	p0 =	sgt.u32 s10, s6  }
0xb: {  	s13 =	sxor.u32 @!p0 $0xFFFFFFFF, s9;
	s14 =	sshrl.u32 @!p0 s11, $0x3  }
0xc: {  	s15 =	sand.u32 @!p0 $0x7, s11;
	s13 =	sand.u32 @!p0 $0x10, s13;
	s14 =	sadd.s32 @!p0 s3, s14  }
0xd: {  	[tilespmem:s13], [sflag:$0x2] =	stream.linear.gather @!p0 [hbm4b:s14+s15], $0x10, $0x38;
	[tilespmem:$0x40] =	vst v63  }
0xe: {  	p0 =	seq.s32 s9, $0x0  }
0xf: {  	p1 =	sge.u32 @!p0 s10, s7  }
0x10: {  	p0 =	por p1, p0  }
0x11: {  	s13 =	simm.s32 @!p0 $0x2  }
0x12: {  	_ =	swait.ge @!p0 [sflag:s13], $0x10  }
0x13: {  	[sflag:s13] =	ssyncset.done @!p0 $0x0  }
0x14: {  	[sflag:s13] =	ssyncadd.s32 @!p0 $0xFFFFFFF0;
	s13 =	sand.u32 @!p0 $0x10, s9  }
0x15: {  	(ifvalue) =	ssetifvalue @!p0 $0x7FFFFFFF;
	v0 =	vld.msk @!p0 [tilespmem:s13+$0x0 ss:$0x1], $0xffff;
	_ =	sdelay $0x4  }
0x16: {  	vm0 =	vgt.s32 @!p0 v0, $0x0  }
0x17: {  	v0 =	vnsel @!p0 vm0, $0x0, v0  }
0x18: {  	v0 =	vmin.u32 @!p0 v0, $0x1387;
	_ =	sdelay $0x3  }
0x19: {  	s14 =	simm.s32 @!p0 $0x0;
	s13 =	sor.u32 @!p0 $0x20, s13;
	(ifvalue) =	ssetifvalue @!p0 $0x7FFFFFFF;
	vm0 =	vmmov @!p0 $0xffff  }
0x1a: {  	[tilespmem:s13], [sflag:$0x1] =	stream.indirect_vreg.gather @!p0 [hbm4b:s2+s14], $0x1, v0, vm0, $0x4038;
	[tilespmem:$0x40] =	vst v63  }
0x1b: {  	s14 =	simm.s32 @!p0 $0x1  }
0x1c: {  	_ =	swait.ge @!p0 [sflag:s14], $0x10  }
0x1d: {  	s15 =	sshrl.u32 @!p0 s12, $0x3;
	[sflag:s14] =	ssyncset.done @!p0 $0x0  }
0x1e: {  	s12 =	sand.u32 @!p0 $0x7, s12;
	[sflag:s14] =	ssyncadd.s32 @!p0 $0xFFFFFFF0;
	s14 =	sadd.s32 @!p0 s4, s15  }
0x1f: {  	[hbm4b:s14+s12] =	stream.linear.scatter @!p0 [tilespmem:s13], [sflag:$0x3], $0x10, $0x38;
	[tilespmem:$0x40] =	vst v63  }
0x20: {  	s14 =	sadd.s32 $0x100, s11  }
0x21: {  	s9 =	sadd.s32 $0x10, s9;
	p1 =	sgt.s32 s14, $0x1387  }
0x22: {  	s14 =	smov.u32 @p1 s5;
	p1 =	sne.s32 s8, s9  }
.Ltmp0:
0x23: {  	p0 =	slt.u32 s10, $0x2;
	(pc) =	sbr.rel @p1 .LBB2_1-.Ltmp0, $4  }
0x24: {  	s13 =	simm.s32 @!p0 $0x3  }
0x25: {  	_ =	swait.ge @!p0 [sflag:s13], $0x10  }
0x26: {  	s12 =	smov.u32 s11;
	[sflag:s13] =	ssyncset.done @!p0 $0x0  }
0x27: {  	s10 =	sadd.s32 $0x1, s10;
	s11 =	smov.u32 s14;
	[sflag:s13] =	ssyncadd.s32 @!p0 $0xFFFFFFF0  }
0x28: {  	_ =	sfence.sel $0x180000  }
0x29: {  	s2 =	simm.s32 $0x2;
	[bflag:$0x0] =	sbarrier.arrive $0xFFFF  }
0x2a: {  	s30 =	simm.s32 $0x3;
	[sflag:s2] =	ssyncpa.u1 $0x1  }
0x2b: {  	s31 =	simm.s32 $0x1;
	[sflag:s30] =	ssyncpa.u1 $0x1  }
0x2c: {  	[sflag:s31] =	ssyncpa.u1 $0x1  }
0x2d: {  	p0 =	sne.s32 s1, $0x0;
	_ =	strace $0x90000047  }
0x2e: {  	s0 =	sadd.s32 @!p0 $0x100000, s0;
	[bflag:$0x2] =	sbarrier.arrive $0xFFFF  }
0x2f: {  	[sflag:s0] =	ssyncadd.tile.s32 @!p0 $0x1;
	_ =	shalt  }
.Lfunc_end2:
_tile_overlayer_lowered:
.L_overlay_start_2:
0x30: {  	(tag) =	ssettag $0x2  }
0x31: {  	s0 =	rddreg [dreg:$0x0];
	s2 =	stileid.u32  }
0x32: {  	s1 =	rddreg [dreg:$0x1];
	p0 =	sne.s32 s2, $0x0  }
0x33: {  	s3 =	rddreg [dreg:$0x2];
	[bflag:$0x3] =	sbarrier.arrive $0xFFFF;
	s2 =	simm.s32 @!p0 $0x1C01  }
0x34: {  	[timem:s3], [sflag:s2] =	dma.local @!p0 [hbm:s0], s1  }
0x35: {  	s0 =	simm.s32 @!p0 $0x1  }
0x36: {  	_ =	swait.ge @!p0 [sflag:s0], s1  }
0x37: {  	s1 =	ssub.s32 @!p0 $0x0, s1;
	[sflag:s0] =	ssyncset.done @!p0 $0x0  }
0x38: {  	[sflag:s0] =	ssyncadd.s32 @!p0 s1  }
0x39: {  	[bflag:$0x3] =	sbarrier.arrive $0xFFFF  }
0x3a: {  	_ =	shalt  }

// kernel: gather_offload_async_start
scs
__scs_entry_jumppad:
0x0: {  	(pc) =	sbr.rel $0x88, $3  }
0x1: {  	(tag) =	ssettag $0x0;
	lr =	simm.s32 $0x1  }
0x2: {  	[smem:$0x3F9F] =	sst lr;
	_ =	strace $0xD0000000  }
0x3: {  	_ = 	snop  }
0x4: {  	_ = 	snop  }
0x5: {  	_ = 	snop  }
0x6: {  	_ = 	snop  }
0x7: {  	_ = 	snop  }
__scs_overlays_trampoline_lowered:
0x8: {  	[smem:$0x3FAE] =	sst s0  }
0x9: {  	[smem:$0x3FAF] =	sst s1  }
0xa: {  	[smem:$0x3FB0] =	sst s2  }
0xb: {  	[smem:$0x3FB1] =	sst s3  }
0xc: {  	[smem:$0x3FB2] =	sst s4  }
0xd: {  	[smem:$0x3FB3] =	sst s5  }
0xe: {  	[smem:$0x3FB4] =	sst s6  }
0xf: {  	[smem:$0x3FB5] =	sst s7  }
0x10: {  	[smem:$0x3FB6] =	sst s8  }
0x11: {  	[smem:$0x3FB7] =	sst s9;
	s0 =	simm.s32 @!p0 $0x0  }
0x12: {  	s1 =	sld [smem:$0x3F9D];
	s0 =	simm.s32 @p0 $0x1  }
0x13: {  	[smem:$0x3FB8] =	sst s0;
	s0 =	simm.s32 @!p1 $0x0  }
0x14: {  	s2 =	sld [smem:$0x3F9C];
	s0 =	simm.s32 @p1 $0x1  }
0x15: {  	[smem:$0x3FB9] =	sst s0;
	s0 =	simm.s32 @!p2 $0x0  }
0x16: {  	s3 =	sld [smem:$0x3FDB];
	s0 =	simm.s32 @p2 $0x1  }
0x17: {  	s4 =	simm.s32 $0x1BF5;
	[smem:$0x3FBB] =	sst s0  }
0x18: {  	s0 =	sld [smem:$0x3F9E];
	_ =	swait.ge [sflag:s4], $0x0  }
0x19: {  	s7 =	sld [smem:$0x3F9F]  }
0x1a: {  	s8 =	sadd.s32 $0xFFFFE003, lr  }
0x1b: {  	s9 =	sadd.s32 $0xFFFFFEF7, lr;
	s5 =	simm.s32 $0xFFFFFFFF;
	p2 =	slt.u32 s8, $0xFFFFF086  }
0x1c: {  	p1 =	slt.u32 s9, $0xF7A;
	s5 =	simm.s32 @!p2 $0x0  }
0x1d: {  	s5 =	simm.s32 @p1 $0x1;
	p0 =	seq.s32 s7, s2  }
0x1e: {  	s7 =	smul.u32 @!p0 $0xF7A, s2;
	p2 =	seq.s32 @!p0 s5, $0x0  }
0x1f: {  	s9 =	smul.u32 $0xF7A, s1;
	s8 =	simm.s32 @!p0 $0x1BF5;
	p2 =	por !p2, p0  }
0x20: {  	[sflag:s8] =	ssyncset.s32 @!p0 $0xFFFFF086;
	s6 =	sadd.s32 @!p0 s3, s7;
	s7 =	simm.s32 @!p0 $0x108  }
0x21: {  	s3 =	sadd.s32 s3, s9;
	s6 =	sadd.s32 @!p0 $0x88, s6;
	s7 =	simm.s32 @p2 $0x1082  }
0x22: {  	[simem:s7], [sflag:s8] =	dma.local @!p0 [hbm:s6], $0xF7A  }
0x23: {  	s9 =	sor.u32 $0xD0000000, s2;
	s6 =	simm.s32 $0x108;
	_ =	swait.ge @!p0 [sflag:s8], $0x0  }
0x24: {  	s3 =	sadd.s32 $0x88, s3;
	s6 =	simm.s32 @!p1 $0x1082;
	[sflag:s4] =	ssyncset.s32 $0xFFFFF086  }
0x25: {  	[simem:s6], [sflag:s4] =	dma.local [hbm:s3], $0xF7A  }
0x26: {  	[smem:$0x3F9F] =	sst s1;
	(tag) =	ssettag s2;
	_ =	strace s9  }
0x27: {  	s1 =	sld [smem:$0x3FAF]  }
0x28: {  	s2 =	sld [smem:$0x3FB0]  }
0x29: {  	s4 =	sld [smem:$0x3FB2]  }
0x2a: {  	p0 =	seq.s32 s5, $0x0;
	s5 =	sld [smem:$0x3FB3]  }
0x2b: {  	s6 =	sld [smem:$0x3FB4]  }
0x2c: {  	s7 =	sld [smem:$0x3FB5]  }
0x2d: {  	s3 =	simm.s32 $0x108;
	s8 =	sld [smem:$0x3FB6]  }
0x2e: {  	s3 =	simm.s32 @!p0 $0x1082;
	s9 =	sld [smem:$0x3FB7]  }
0x2f: {  	lr =	sadd.s32 s0, s3;
	s0 =	sld [smem:$0x3FAE]  }
0x30: {  	s3 =	sld [smem:$0x3FB1]  }
0x31: {  	[smem:$0x3FBA] =	sst s10  }
0x32: {  	s10 =	sld [smem:$0x3FB8];
	_ =	sdelay $0x3  }
0x33: {  	p0 =	seq.s32 s10, $0x1;
	s10 =	sld [smem:$0x3FBA];
	_ =	sdelay $0x3  }
0x34: {  	[smem:$0x3FBA] =	sst s10  }
0x35: {  	s10 =	sld [smem:$0x3FB9];
	_ =	sdelay $0x3  }
0x36: {  	p1 =	seq.s32 s10, $0x1;
	s10 =	sld [smem:$0x3FBA];
	_ =	sdelay $0x3  }
0x37: {  	[smem:$0x3FBA] =	sst s10  }
0x38: {  	s10 =	sld [smem:$0x3FBB]  }
0x39: {  	_ = 	snop;
	(pc) =	sbr.ind lr, $3  }
0x3a: {  	_ = 	snop  }
0x3b: {  	_ = 	snop  }
0x3c: {  	p2 =	seq.s32 s10, $0x1;
	s10 =	sld [smem:$0x3FBA]  }
0x3d: {  	_ =	shalt  }
0x3e: {  	_ =	shalt  }
0x3f: {  	_ =	shalt  }
0x40: {  	_ =	shalt  }
0x41: {  	_ =	shalt  }
0x42: {  	_ =	shalt  }
0x43: {  	_ =	shalt  }
0x44: {  	_ =	shalt  }
0x45: {  	_ =	shalt  }
0x46: {  	_ =	shalt  }
0x47: {  	_ =	shalt  }
0x48: {  	_ =	shalt  }
0x49: {  	_ =	shalt  }
0x4a: {  	_ =	shalt  }
0x4b: {  	_ =	shalt  }
0x4c: {  	_ =	shalt  }
0x4d: {  	_ =	shalt  }
0x4e: {  	_ =	shalt  }
0x4f: {  	_ =	shalt  }
0x50: {  	_ =	shalt  }
0x51: {  	_ =	shalt  }
0x52: {  	_ =	shalt  }
0x53: {  	_ =	shalt  }
0x54: {  	_ =	shalt  }
0x55: {  	_ =	shalt  }
0x56: {  	_ =	shalt  }
0x57: {  	_ =	shalt  }
0x58: {  	_ =	shalt  }
0x59: {  	_ =	shalt  }
0x5a: {  	_ =	shalt  }
0x5b: {  	_ =	shalt  }
0x5c: {  	_ =	shalt  }
0x5d: {  	_ =	shalt  }
0x5e: {  	_ =	shalt  }
0x5f: {  	_ =	shalt  }
0x60: {  	_ =	shalt  }
0x61: {  	_ =	shalt  }
0x62: {  	_ =	shalt  }
0x63: {  	_ =	shalt  }
0x64: {  	_ =	shalt  }
0x65: {  	_ =	shalt  }
0x66: {  	_ =	shalt  }
0x67: {  	_ =	shalt  }
0x68: {  	_ =	shalt  }
0x69: {  	_ =	shalt  }
0x6a: {  	_ =	shalt  }
0x6b: {  	_ =	shalt  }
0x6c: {  	_ =	shalt  }
0x6d: {  	_ =	shalt  }
0x6e: {  	_ =	shalt  }
0x6f: {  	_ =	shalt  }
0x70: {  	_ =	shalt  }
0x71: {  	_ =	shalt  }
0x72: {  	_ =	shalt  }
0x73: {  	_ =	shalt  }
0x74: {  	_ =	shalt  }
0x75: {  	_ =	shalt  }
0x76: {  	_ =	shalt  }
0x77: {  	_ =	shalt  }
0x78: {  	_ =	shalt  }
0x79: {  	_ =	shalt  }
0x7a: {  	_ =	shalt  }
0x7b: {  	_ =	shalt  }
0x7c: {  	_ =	shalt  }
0x7d: {  	_ =	shalt  }
0x7e: {  	_ =	shalt  }
0x7f: {  	_ =	shalt  }
0x80: {  	_ =	shalt  }
0x81: {  	_ =	shalt  }
0x82: {  	_ =	shalt  }
0x83: {  	_ =	shalt  }
0x84: {  	_ =	shalt  }
0x85: {  	_ =	shalt  }
0x86: {  	_ =	shalt  }
0x87: {  	_ =	shalt  }
.Lfunc_end0:
.L_simem_size_0:
called_computation_lowered:
.L_overlay_start_0:
0x88: {  	s0 =	sld [smem:$0x3FD9]  }
0x89: {  	s1 =	sld [smem:$0x3FFE];
	_ =	sdelay $0x3  }
0x8a: {  	s0 =	sadd.s32 s1, s0  }
0x8b: {  	[smem:$0x3FC6] =	sst s0  }
0x8c: {  	_ = 	snop  }
0x8d: {  	s0 =	sld [smem:$0x3FD0];
	(tm) =	ssettm $0x1  }
0x8e: {  	s16 =	sld [smem:$0x3FFB];
	_ =	sdelay $0x3  }
0x8f: {  	_ =	strace s16  }
0x90: {  	s1 =	sld [smem:$0x3FFC];
	_ =	sdelay $0x3  }
0x91: {  	_ =	strace s1  }
0x92: {  	s1 =	sld [smem:$0x3FFD];
	_ =	sdelay $0x3  }
0x93: {  	_ =	strace s1  }
0x94: {  	_ =	strace $0x8FFFFFFF  }
0x95: {  	s17 =	sld [smem:$0x3FDB];
	_ =	sdelay $0x1  }
0x96: {  	s2 =	simm.s32 $_scs_section_size  }
0x97: {  	s3 =	simm.s32 $_size__tile_overlayer_lowered;
	s4 =	simm.s32 $_tile_overlayer_lowered  }
0x98: {  	s20 =	simm.s32 $0x1BFF;
	s19 =	sshll.u32 s4, $0x1;
	s1 =	sadd.s32 s2, s17  }
0x99: {  	s5 =	simm.s32 $0x0;
	s18 =	sshll.u32 s3, $0x1;
	s3 =	sadd.s32 s19, s1  }
0x9a: {  	[timem:s5], [sflag:s20] =	dma.local [hbm:s3], s18  }
0x9b: {  	_ =	swait.ge [sflag:s20], s18  }
0x9c: {  	s2 =	ssub.s32 $0x0, s18;
	[sflag:s20] =	ssyncset.done $0x0  }
0x9d: {  	[sflag:s20] =	ssyncadd.s32 s2;
	_ =	sdelay $0x1  }
0x9e: {  	s21 =	simm.s32 $0x1B8B  }
0x9f: {  	_ =	swait.ge [sflag:s21], $0x1  }
0xa0: {  	[sflag:s21] =	ssyncset.done $0x0  }
0xa1: {  	s23 =	simm.s32 $0x1B8E;
	s22 =	sld [smem:$0x3FFE];
	[sflag:s21] =	ssyncadd.s32 $0xFFFFFFFF  }
0xa2: {  	s24 =	simm.s32 $execute0_lowered;
	[smem:$0x3FD2] =	sst s23  }
0xa3: {  	s3 =	sshll.u32 s24, $0x1;
	_ =	strace $0x80000049;
	[dreg:$0x1] =	wrdreg $0xFFFFFFFF  }
0xa4: {  	s25 =	simm.s32 $_size_execute0_lowered;
	s1 =	sadd.s32 s1, s3;
	[dreg:$0x0] =	wrdreg $0x0  }
0xa5: {  	s3 =	sshll.u32 s25, $0x1;
	[dreg:$0x2] =	wrdreg s1  }
0xa6: {  	[dreg:$0x3] =	wrdreg s3  }
0xa7: {  	[dreg:$0x4] =	wrdreg $0xC0  }
0xa8: {  	_ =	task [dreg:s5], $0x5FFFF  }
0xa9: {  	[dreg:$0x1] =	wrdreg $0xFFFFFFFF  }
0xaa: {  	[dreg:$0x0] =	wrdreg $0x60  }
0xab: {  	[dreg:$0x2] =	wrdreg s22  }
0xac: {  	[dreg:$0x3] =	wrdreg s0  }
0xad: {  	[dreg:$0x4] =	wrdreg $0x9  }
0xae: {  	_ =	task.clear_ibuf [dreg:s5], $0x5FFFF;
	_ =	strace $0x90000049  }
0xaf: {  	s26 =	simm.s32 $0x9;
	_ =	strace $0x8000004B  }
0xb0: {  	_ =	swait.ge [sflag:s26], $0x1  }
0xb1: {  	[sflag:s26] =	ssyncadd.s32 $0xFFFFFFFF  }
0xb2: {  	_ =	strace $0x9000004B  }
0xb3: {  	_ =	sfence  }
0xb4: {  	s28 =	sld [smem:$0x0];
	_ =	sdelay $0x1  }
0xb5: {  	s29 =	srdreg.scid  }
0xb6: {  	s30 =	sshll.u32 s29, $0xD;
	s31 =	sshrl.u32 s29, $0x2  }
0xb7: {  	s2 =	sand.u32 $0x4000, s30;
	s1 =	sand.u32 $0x1, s29;
	s0 =	sadd.s32 s31, s28  }
0xb8: {  	s1 =	sor.u32 s2, s1;
	s0 =	sshll.u32 s0, $0x11  }
0xb9: {  	s0 =	sor.u32 s0, s1  }
0xba: {  	s0 =	sadd.s32 $0x8F2B, s0  }
0xbb: {  	[sflag:s0] =	ssyncadd.remote.s32 $0x1  }
0xbc: {  	_ =	sfence.sel $0xFFFF  }
0xbd: {  	[dreg:$0x0] =	wrdreg $0xFFFFFFFF;
	(pc) =	sbr.abs _section_cstart, $3  }
0xbe: {  	[dreg:$0x1] =	wrdreg $0xFFFFFFFF  }
0xbf: {  	_ =	task.clear_ibuf [dreg:s5], $0x2FFFF;
	_ =	strace $0x9FFFFFFF  }
0xc0: {  	(tm) =	ssettm $0x7FFFFFFF  }
0xc1: {  	_ =	shalt  }
tec
execute0_lowered:
.L_overlay_start_1:
0x0: {  	(tag) =	ssettag $0x1  }
0x1: {  	s0 =	stileid.u32  }
0x2: {  	s1 =	smin.u32 s0, $0x9  }
0x3: {  	s1 =	sadd.s32 s0, s1  }
0x4: {  	s2 =	simm.s32 $0x190;
	p0 =	slt.u32 s0, $0x9;
	s1 =	smul.u32 $0xC8, s1  }
0x5: {  	s2 =	simm.s32 @!p0 $0xC8  }
0x6: {  	s2 =	sadd.s32 s2, s1  }
0x7: {  	s3 =	smin.u32 s2, $0x1388  }
0x8: {  	s7 =	ssub.s32 s3, s1  }
0x9: {  	p0 =	sgt.s32 s7, $0x0  }
0xa: {  	s7 =	simm.s32 @!p0 $0x0  }
0xb: {  	s31 =	sand.u32 $0xFFF8, s7  }
0xc: {  	s2 =	sshrl.u32 s31, $0x3  }
0xd: {  	s9 =	rddreg [dreg:$0x0];
	s2 =	smul.u32 $0x147B, s2  }
0xe: {  	s4 =	rddreg [dreg:$0x1];
	s6 =	simm.s32 $0x1  }
0xf: {  	s11 =	simm.s32 $0x3;
	s13 =	simm.s32 $0x0;
	s8 =	sshrl.u32 s2, $0x11  }
0x10: {  	s12 =	simm.s32 $0x0;
	s5 =	sadd.s32 $0x400, s9;
	s10 =	smul.u32 $0xC8, s8  }
.Ltmp0:
0x11: {  	s9 =	sadd.s32 $0x13E00, s9;
	s2 =	rddreg [dreg:$0x2];
	(pc) =	sbr.rel .LBB2_1-.Ltmp0, $4  }
0x12: {  	_ =	strace $0x8000004A;
	p0 =	sne.s32 s7, s10;
	s10 =	simm.s32 $0x1  }
0x13: {  	[sflag:s6] =	ssyncpa.u1 $0x0;
	s7 =	simm.s32 $0x2;
	s10 =	simm.s32 @!p0 $0x0  }
0x14: {  	[sflag:s7] =	ssyncpa.u1 $0x0;
	p0 =	por $0x0, $0x0;
	s8 =	sadd.s32 s8, s10  }
0x15: {  	vm0 =	vmmov $0xff;
	vm1 =	vcmask $0x3F20;
	[sflag:s11] =	ssyncpa.u1 $0x0;
	s11 =	smov.u32 s1;
	s10 =	sadd.s32 $0x1, s8  }
.LBB2_6:
0x16: {  	[hbm:s17] =	stream.linear.scatter [tilespmem:s14], [sflag:$0x3], $0x400, $0x38;
	[tilespmem:$0xC990] =	vst v63  }
.LBB2_7:
0x17: {  	s13 =	sadd.s32 $0xC8, s11  }
0x18: {  	s15 =	smov.u32 s1;
	p2 =	slt.s32 s13, s3  }
0x19: {  	s15 =	smov.u32 @p2 s13;
	p2 =	sne.s32 s12, s10  }
.Ltmp1:
0x1a: {  	p1 =	slt.u32 s12, $0x2;
	(pc) =	sbr.rel @!p2 .LBB2_8-.Ltmp1, $4  }
0x1b: {  	s14 =	simm.s32 @!p1 $0x3  }
0x1c: {  	s16 =	sadd.s32 $0x1, s12;
	_ =	swait.ge @!p1 [sflag:s14], $0x6400  }
0x1d: {  	p0 =	por !p0, !p0;
	s13 =	smov.u32 s11;
	[sflag:s14] =	ssyncset.done @!p1 $0x0  }
0x1e: {  	s12 =	smov.u32 s16;
	s11 =	smov.u32 s15;
	[sflag:s14] =	ssyncadd.s32 @!p1 $0xFFFF9C00  }
.LBB2_1:
0x1f: {  	p1 =	sge.u32 s12, s8  }
0x20: {  	s14 =	sxor.u32 @!p1 $0xFFFFFFFF, s12  }
0x21: {  	s14 =	sand.u32 @!p1 $0x1, s14  }
0x22: {  	s14 =	smul.u32 @!p1 $0x320, s14  }
0x23: {  	s31 =	sadd.s32 $0xFFFFFFFF, s12;
	s15 =	sshrl.u32 @!p1 s11, $0x3  }
0x24: {  	s16 =	sand.u32 @!p1 $0x7, s11;
	s15 =	sadd.s32 @!p1 s4, s15;
	s14 =	sshrl.u32 @!p1 s14, $0x2  }
0x25: {  	[tilespmem:s14], [sflag:$0x2] =	stream.linear.gather @!p1 [hbm4b:s15+s16], $0xC8, $0x38;
	[tilespmem:$0xC990] =	vst v63  }
0x26: {  	p1 =	sge.u32 s31, s8  }
.Ltmp2:
0x27: {  	_ = 	snop;
	(pc) =	sbr.rel @p1 .LBB2_7-.Ltmp2, $1  }
0x28: {  	_ =	sdelay $0x3  }
0x29: {  	s14 =	simm.s32 $0x1  }
0x2a: {  	s14 =	simm.s32 @!p0 $0x0  }
0x2b: {  	s15 =	smul.u32 $0x320, s14  }
0x2c: {  	_ =	swait.ge [sflag:s7], $0xC8  }
0x2d: {  	[sflag:s7] =	ssyncset.done $0x0;
	s16 =	sshrl.u32 s15, $0x2  }
0x2e: {  	[sflag:s7] =	ssyncadd.s32 $0xFFFFFF38;
	s15 =	sadd.s32 $0x0, s16  }
0x2f: {  	v0 =	vld.msk [tilespmem:s15+$0x0 ss:$0x1], $0xffff;
	_ =	sdelay $0x4  }
0x30: {  	vm2 =	vgt.s32 v0, $0x0  }
0x31: {  	v0 =	vnsel vm2, $0x0, v0  }
0x32: {  	v0 =	vmin.u32 v0, $0x1387  }
0x33: {  	v0 =	vshll.u32 v0, $0x4  }
0x34: {  	s14 =	smul.u32 $0x19000, s14  }
0x35: {  	s31 =	sand.u32 $0x1, s12  }
0x36: {  	s17 =	smul.u32 $0x320, s31;
	s14 =	sshrl.u32 s14, $0x2  }
0x37: {  	s19 =	smul.u32 $0x19000, s31;
	s14 =	sor.u32 $0x190, s14  }
0x38: {  	[tilespmem:s14], [sflag:$0x1] =	stream.indirect_vreg.gather [hbm:s5], $0x80, v0, vm0, $0x38;
	[tilespmem:$0xC990] =	vst v63  }
0x39: {  	s18 =	sshrl.u32 s17, $0x2;
	s20 =	sadd.s32 $0x10, s16;
	s15 =	sadd.s32 $0x400, s14  }
0x3a: {  	[tilespmem:s15], [sflag:$0x1] =	stream.indirect_vreg.gather [hbm:s5], $0x80, v0, vm1, $0x38;
	[tilespmem:$0xC990] =	vst v63  }
0x3b: {  	s17 =	sshrl.u32 s19, $0x2;
	s19 =	smov.u32 s14;
	v0 =	vld.msk [tilespmem:s20+$0x0 ss:$0x1], $0xffff;
	s20 =	simm.s32 $0x80  }
.LBB2_3:
0x3c: {  	p1 =	sne.s32 s20, $0x2C0;
	_ =	sdelay $0x4  }
0x3d: {  	vm2 =	vgt.s32 v0, $0x0  }
0x3e: {  	v0 =	vnsel vm2, $0x0, v0  }
0x3f: {  	v0 =	vmin.u32 v0, $0x1387  }
0x40: {  	v0 =	vshll.u32 v0, $0x4;
	_ =	sdelay $0x3  }
.Ltmp3:
0x41: {  	s21 =	sshra.s32 s20, $0x2;
	s19 =	sadd.s32 $0x800, s19;
	(pc) =	sbr.rel @p1 .LBB2_3-.Ltmp3, $4  }
0x42: {  	[tilespmem:s19], [sflag:$0x1] =	stream.indirect_vreg.gather [hbm:s5], $0x80, v0, vm0, $0x38;
	[tilespmem:$0xC990] =	vst v63  }
0x43: {  	s21 =	sadd.s32 s21, s16;
	s22 =	sadd.s32 $0x400, s19  }
0x44: {  	[tilespmem:s22], [sflag:$0x1] =	stream.indirect_vreg.gather [hbm:s5], $0x80, v0, vm1, $0x38;
	[tilespmem:$0xC990] =	vst v63  }
0x45: {  	s20 =	sadd.s32 $0x40, s20;
	v0 =	vld.msk [tilespmem:s21+$0x0 ss:$0x1], $0xffff  }
0x46: {  	_ =	sdelay $0x3  }
0x47: {  	vm2 =	vgt.s32 v0, $0x0  }
0x48: {  	v0 =	vnsel vm2, $0x0, v0  }
0x49: {  	v0 =	vmin.u32 v0, $0x1387  }
0x4a: {  	v0 =	vshll.u32 v0, $0x4;
	_ =	sdelay $0x3  }
0x4b: {  	s16 =	sadd.s32 $0x800, s19  }
0x4c: {  	[tilespmem:s16], [sflag:$0x1] =	stream.indirect_vreg.gather [hbm:s5], $0x80, v0, vm0, $0x38;
	[tilespmem:$0xC990] =	vst v63  }
0x4d: {  	s16 =	sadd.s32 $0x400, s16  }
0x4e: {  	[tilespmem:s16], [sflag:$0x1] =	stream.indirect_vreg.gather [hbm:s5], $0x80, v0, vm1, $0x38;
	[tilespmem:$0xC990] =	vst v63  }
0x4f: {  	v0 =	vld.msk [tilespmem:s18+$0xC0 ss:$0x1], $0xff;
	_ =	sdelay $0x4  }
0x50: {  	vm2 =	vgt.s32 v0, $0x0  }
0x51: {  	v0 =	vnsel vm2, $0x0, v0  }
0x52: {  	v0 =	vmin.u32 v0, $0x1387  }
0x53: {  	v0 =	vshll.u32 v0, $0x4;
	_ =	sdelay $0x3  }
0x54: {  	s31 =	sadd.s32 $0x6190, s17  }
0x55: {  	[tilespmem:s31], [sflag:$0x1] =	stream.indirect_vreg.gather [hbm:s5], $0x80, v0, vm0, $0x38;
	[tilespmem:$0xC990] =	vst v63  }
0x56: {  	s13 =	sshll.u32 s13, $0x4;
	_ =	swait.ge [sflag:s6], $0x6400  }
0x57: {  	s13 =	sadd.s32 s13, s9;
	[sflag:s6] =	ssyncset.done $0x0  }
0x58: {  	s17 =	sadd.s32 $0x0, s13;
	s16 =	simm.s32 $0x80;
	[sflag:s6] =	ssyncadd.s32 $0xFFFF9C00  }
.LBB2_5:
0x59: {  	[hbm:s17] =	stream.linear.scatter [tilespmem:s14], [sflag:$0x3], $0x400, $0x38;
	[tilespmem:$0xC990] =	vst v63  }
0x5a: {  	s17 =	smov.u32 s16;
	s14 =	smov.u32 s15;
	p1 =	sne.s32 s16, $0xC00  }
.Ltmp4:
0x5b: {  	s16 =	sadd.s32 $0x80, s16;
	(pc) =	sbr.rel @p1 .LBB2_5-.Ltmp4, $2  }
0x5c: {  	_ =	sdelay $0x2  }
0x5d: {  	s15 =	sadd.s32 $0x400, s15;
	s17 =	sadd.s32 s17, s13  }
.Ltmp5:
0x5e: {  	_ = 	snop;
	(pc) =	sbr.rel .LBB2_6-.Ltmp5, $1  }
0x5f: {  	_ =	sdelay $0x3  }
.LBB2_8:
0x60: {  	_ =	sfence.sel $0x180000  }
0x61: {  	s1 =	simm.s32 $0x2;
	[bflag:$0x0] =	sbarrier.arrive $0xFFFF  }
0x62: {  	s30 =	simm.s32 $0x3;
	[sflag:s1] =	ssyncpa.u1 $0x1  }
0x63: {  	s31 =	simm.s32 $0x1;
	[sflag:s30] =	ssyncpa.u1 $0x1  }
0x64: {  	[sflag:s31] =	ssyncpa.u1 $0x1  }
0x65: {  	p0 =	sne.s32 s0, $0x0;
	_ =	strace $0x9000004A  }
0x66: {  	s0 =	sadd.s32 @!p0 $0x100000, s2;
	[bflag:$0x2] =	sbarrier.arrive $0xFFFF  }
0x67: {  	[sflag:s0] =	ssyncadd.tile.s32 @!p0 $0x1;
	_ =	shalt  }
.Lfunc_end2:
_tile_overlayer_lowered:
.L_overlay_start_2:
0x68: {  	(tag) =	ssettag $0x2  }
0x69: {  	s0 =	rddreg [dreg:$0x0];
	s2 =	stileid.u32  }
0x6a: {  	s1 =	rddreg [dreg:$0x1];
	p0 =	sne.s32 s2, $0x0  }
0x6b: {  	s3 =	rddreg [dreg:$0x2];
	[bflag:$0x3] =	sbarrier.arrive $0xFFFF;
	s2 =	simm.s32 @!p0 $0x1C01  }
0x6c: {  	[timem:s3], [sflag:s2] =	dma.local @!p0 [hbm:s0], s1  }
0x6d: {  	s0 =	simm.s32 @!p0 $0x1  }
0x6e: {  	_ =	swait.ge @!p0 [sflag:s0], s1  }
0x6f: {  	s1 =	ssub.s32 @!p0 $0x0, s1;
	[sflag:s0] =	ssyncset.done @!p0 $0x0  }
0x70: {  	[sflag:s0] =	ssyncadd.s32 @!p0 s1  }
0x71: {  	[bflag:$0x3] =	sbarrier.arrive $0xFFFF  }
0x72: {  	_ =	shalt  }

</sc_bundles>
